<compile_context>
chip_gen: v7x
topology: tpu7x:2x2x1
jax: 0.10.2.dev20260603
libtpu: 0.0.44.dev20260713+nightly
codegen_flags: <defaults>
</compile_context>

<pallas_src>
import functools

import jax
import jax.numpy as jnp
from jax import lax
from jax.experimental import pallas as pl
from jax.experimental.pallas import tpu as pltpu
from jax.experimental.pallas import tpu_sc as plsc

NUM_EMB = 1024
DIM = 64
BATCH = 16
PIX = 32 * 32
N = BATCH * PIX
_LOSS_SCALE = 1.25 / (N * DIM)

_NC, _NS = 2, 16
_NW = _NC * _NS
_ROWS_PER_W = N // _NW
_CHUNK = 128
_NCHUNK = _ROWS_PER_W // _CHUNK



_BPS = 4


def _dist_body(x_ref, w_ref, idx_ref, loss_ref):
    g = pl.program_id(0)
    Wt = w_ref[...]
    Wm2 = Wt * (-2.0)
    wn = jnp.sum(Wt * Wt, axis=1, keepdims=True)
    codes = (lax.broadcasted_iota(jnp.int32, (NUM_EMB, PIX), 0)
             .astype(jnp.float32) * (2.0 ** -34))
    partial = jnp.zeros((1, 1), jnp.float32)
    for i in range(_BPS):
        X = x_ref[i]
        mm2 = lax.dot_general(Wm2, X,
                              dimension_numbers=(((1,), (0,)), ((), ())),
                              preferred_element_type=jnp.float32)
        xn = jnp.sum(X * X, axis=0, keepdims=True)
        D = (xn + wn) + mm2
        minv = jnp.min(D, axis=0, keepdims=True)
        keys = (D - minv) + codes
        idx = (jnp.min(keys, axis=0, keepdims=True)
               * (2.0 ** 34)).astype(jnp.int32)
        idx_ref[i] = idx.reshape(PIX // 128, 128)
        partial = partial + jnp.sum(minv).reshape(1, 1)
    prev = jnp.where(g == 0, jnp.zeros((1, 1), jnp.float32), loss_ref[...])
    tot = prev + partial
    loss_ref[...] = jnp.where(g == BATCH // _BPS - 1, tot * _LOSS_SCALE, tot)


def _distances_argmin(x, weight):
    idx3, loss = pl.pallas_call(
        _dist_body,
        grid=(BATCH // _BPS,),
        in_specs=[
            pl.BlockSpec((_BPS, DIM, PIX), lambda g: (g, 0, 0)),
            pl.BlockSpec((NUM_EMB, DIM), lambda g: (0, 0)),
        ],
        out_specs=[
            pl.BlockSpec((_BPS, PIX // 128, 128), lambda g: (g, 0, 0)),
            pl.BlockSpec((1, 1), lambda g: (0, 0)),
        ],
        out_shape=[
            jax.ShapeDtypeStruct((BATCH, PIX // 128, 128), jnp.int32),
            jax.ShapeDtypeStruct((1, 1), jnp.float32),
        ],
    )(x, weight)
    return idx3, loss.reshape(())




@functools.lru_cache(maxsize=1)
def _make_gather():
    mesh = plsc.VectorSubcoreMesh(core_axis_name="c", subcore_axis_name="s")
    half = PIX // 128 // 2

    @functools.partial(
        pl.kernel, mesh=mesh,
        compiler_params=pltpu.CompilerParams(use_tc_tiling_on_sc=False),
        out_type=jax.ShapeDtypeStruct((N, DIM), jnp.float32),
        scratch_types=[
            pltpu.VMEM((_NCHUNK, _CHUNK), jnp.int32),
            pltpu.VMEM((_ROWS_PER_W, DIM), jnp.float32),
            pltpu.VMEM_SHARED((NUM_EMB, DIM), jnp.float32),
            pltpu.SemaphoreType.DMA,
            pltpu.SemaphoreType.DMA,
        ],
    )
    def gather(table_hbm, idx_hbm, out_hbm, idx_v, rows_v, table_sh,
               sem, sem_wb):
        sid = lax.axis_index("s")
        wid = sid * _NC + lax.axis_index("c")
        b = wid // 2
        h = wid % 2
        @pl.when(sid == 0)
        def _():
            pltpu.sync_copy(table_hbm, table_sh)
        pltpu.sync_copy(idx_hbm.at[b, pl.ds(h * half, half)], idx_v)
        plsc.subcore_barrier()
        gathers = [
            pltpu.async_copy(table_sh.at[idx_v.at[j]],
                             rows_v.at[pl.ds(j * _CHUNK, _CHUNK)], sem)
            for j in range(_NCHUNK)
        ]
        base = wid * _ROWS_PER_W
        writebacks = []
        for j in range(_NCHUNK):
            gathers[j].wait()
            writebacks.append(pltpu.async_copy(
                rows_v.at[pl.ds(j * _CHUNK, _CHUNK)],
                out_hbm.at[pl.ds(base + j * _CHUNK, _CHUNK)], sem_wb))
        for c in writebacks:
            c.wait()

    return gather




def kernel(inputs, weight):
    x = inputs.reshape(BATCH, DIM, PIX)
    idx, loss = _distances_argmin(x, weight)
    quantized = _make_gather()(weight, idx)
    out = quantized.reshape(BATCH, 32, 32, DIM).transpose(0, 3, 1, 2)
    return (out, loss)

# --- scband reference (transcript-rebuilt; emitter-appended) ---
"""Pipeline reference for scband-vector-quantizer-13314398618307 (READ-ONLY COPY).

The authoritative reference and input builder live on the scoring server;
editing this copy changes nothing except your own understanding.
"""

import jax, jax.numpy as jnp
import numpy as np

NUM_EMBEDDINGS = 1024
EMBEDDING_DIM = 64
COMMITMENT_COST = 0.25


def setup_inputs(seed: int = 0) -> dict:
    key = jax.random.key(seed)
    k1, k2 = jax.random.split(key)
    inputs = jax.random.normal(k1, (16, 64, 32, 32), dtype=jnp.float32)
    weight = jax.random.uniform(
        k2, (NUM_EMBEDDINGS, EMBEDDING_DIM), dtype=jnp.float32,
        minval=-1.0 / NUM_EMBEDDINGS, maxval=1.0 / NUM_EMBEDDINGS)
    return {"inputs": inputs, "weight": weight}


def reference(inputs, weight):
    # inputs: [B, C, H, W] -> [B, H, W, C]
    x = jnp.transpose(inputs, (0, 2, 3, 1))
    flat = x.reshape(-1, EMBEDDING_DIM)
    distances = (jnp.sum(flat ** 2, axis=1, keepdims=True)
                 + jnp.sum(weight ** 2, axis=1)
                 - 2.0 * jnp.matmul(flat, weight.T))
    encoding_indices = jnp.argmin(distances, axis=1)
    encodings = jax.nn.one_hot(encoding_indices, NUM_EMBEDDINGS, dtype=jnp.float32)
    quantized = jnp.matmul(encodings, weight).reshape(x.shape)
    e_latent_loss = jnp.mean((jax.lax.stop_gradient(quantized) - x) ** 2)
    q_latent_loss = jnp.mean((quantized - jax.lax.stop_gradient(x)) ** 2)
    loss = q_latent_loss + COMMITMENT_COST * e_latent_loss
    quantized_st = x + jax.lax.stop_gradient(quantized - x)
    return (jnp.transpose(quantized_st, (0, 3, 1, 2)), loss)

if __name__ == "__main__":
    import jax
    _d = setup_inputs()
    print(jax.jit(kernel)(*tuple(_d.values())))

</pallas_src>

<mosaic_0001>
#map = affine_map<(d0, d1) -> (0, 0)>
#map1 = affine_map<(d0, d1) -> (0, 0, 0)>
module attributes {stable_mosaic.version = 14 : i64} {
  func.func @gather(%arg0: i32, %arg1: i32, %arg2: memref<1024x64xf32, #tpu.memory_space<hbm>>, %arg3: memref<16x8x128xi32, #tpu.memory_space<hbm>>, %arg4: memref<16384x64xf32, #tpu.memory_space<hbm>>, %arg5: memref<4x128xi32, #tpu.memory_space<vmem>>, %arg6: memref<512x64xf32, #tpu.memory_space<vmem>>, %arg7: memref<1024x64xf32, #tpu.memory_space<vmem_shared>>, %arg8: memref<!tpu.dma_semaphore, #tpu.memory_space<semaphore_mem>>, %arg9: memref<!tpu.dma_semaphore, #tpu.memory_space<semaphore_mem>>) attributes {dimension_semantics = [#tpu.dimension_semantics<core_parallel>, #tpu.dimension_semantics<subcore_parallel>], iteration_bounds = array<i64: 2, 16>, scalar_prefetch = 0 : i64, scratch_operands = 5 : i64, tpu.core_type = #tpu.core_type<sc_vector_subcore>, window_params = [{transform_indices = #map}, {transform_indices = #map1}, {transform_indices = #map}]} {
    %mul3A = arith.constant 2 : i32
    %mul3A_0 = arith.muli %arg1, %mul3A : i32
    %add3A = arith.addi %mul3A_0, %arg0 : i32
    %jit3A = arith.constant 2 : i32
    %div3A = arith.divsi %add3A, %jit3A : i32
    %sign3A = arith.constant 0 : i32
    %sign3A_1 = arith.cmpi sgt, %add3A, %sign3A : i32
    %sign3A_2 = arith.extui %sign3A_1 : i1 to i32
    %sign3A_3 = arith.constant 0 : i32
    %sign3A_4 = arith.cmpi slt, %add3A, %sign3A_3 : i32
    %sign3A_5 = arith.extui %sign3A_4 : i1 to i32
    %sign3A_6 = arith.subi %sign3A_2, %sign3A_5 : i32
    %sign3A_7 = arith.constant 0 : i32
    %sign3A_8 = arith.cmpi sgt, %jit3A, %sign3A_7 : i32
    %sign3A_9 = arith.extui %sign3A_8 : i1 to i32
    %sign3A_10 = arith.constant 0 : i32
    %sign3A_11 = arith.cmpi slt, %jit3A, %sign3A_10 : i32
    %sign3A_12 = arith.extui %sign3A_11 : i1 to i32
    %sign3A_13 = arith.subi %sign3A_9, %sign3A_12 : i32
    %ne3A = arith.cmpi ne, %sign3A_6, %sign3A_13 : i32
    %rem3A = arith.remsi %add3A, %jit3A : i32
    %ne3A_14 = arith.constant 0 : i32
    %ne3A_15 = arith.cmpi ne, %rem3A, %ne3A_14 : i32
    %and3A = arith.andi %ne3A, %ne3A_15 : i1
    %sub3A = arith.constant 1 : i32
    %sub3A_16 = arith.subi %div3A, %sub3A : i32
    %select_n3A = arith.select %and3A, %sub3A_16, %div3A : i32
    %jit3A_17 = arith.constant 2 : i32
    %eq3A = arith.constant 0 : i32
    %eq3A_18 = arith.cmpi eq, %jit3A_17, %eq3A : i32
    %jit3A_19 = arith.constant 1 : i32
    %select_n3A_20 = arith.select %eq3A_18, %jit3A_19, %jit3A_17 : i32
    %rem3A_21 = arith.remsi %add3A, %select_n3A_20 : i32
    %ne3A_22 = arith.constant 0 : i32
    %ne3A_23 = arith.cmpi ne, %rem3A_21, %ne3A_22 : i32
    %lt3A = arith.constant 0 : i32
    %lt3A_24 = arith.cmpi slt, %rem3A_21, %lt3A : i32
    %lt3A_25 = arith.constant 0 : i32
    %lt3A_26 = arith.cmpi slt, %select_n3A_20, %lt3A_25 : i32
    %ne3A_27 = arith.xori %lt3A_24, %lt3A_26 : i1
    %and3A_28 = arith.andi %ne3A_27, %ne3A_23 : i1
    %add3A_29 = arith.addi %rem3A_21, %select_n3A_20 : i32
    %select_n3A_30 = arith.select %and3A_28, %add3A_29, %rem3A_21 : i32
    %eq3A_31 = arith.constant 0 : i32
    %eq3A_32 = arith.cmpi eq, %arg1, %eq3A_31 : i32
    %convert_element_type3A = arith.extui %eq3A_32 : i1 to i32
    %cond3A = arith.constant 0 : i32
    %cond3A_33 = arith.cmpi ne, %convert_element_type3A, %cond3A : i32
    scf.if %cond3A_33 {
      "tpu.region"() ({
        %run_scoped3A = tpu.sem_alloc : memref<!tpu.dma_semaphore, #tpu.memory_space<semaphore_mem>>
        tpu.enqueue_dma source(%arg2 : memref<1024x64xf32, #tpu.memory_space<hbm>>) target(%arg7 : memref<1024x64xf32, #tpu.memory_space<vmem_shared>>) target_semaphore(%run_scoped3A : memref<!tpu.dma_semaphore, #tpu.memory_space<semaphore_mem>>)
        tpu.wait_dma2 semaphore(%run_scoped3A : memref<!tpu.dma_semaphore, #tpu.memory_space<semaphore_mem>>) src(%arg2 : memref<1024x64xf32, #tpu.memory_space<hbm>>) dst(%arg7 : memref<1024x64xf32, #tpu.memory_space<vmem_shared>>)
        tpu.yield
      }) : () -> ()
    } else {
    }
    %mul3A_34 = arith.constant 4 : i32
    %mul3A_35 = arith.muli %select_n3A_30, %mul3A_34 : i32
    "tpu.region"() ({
      %run_scoped3A = tpu.sem_alloc : memref<!tpu.dma_semaphore, #tpu.memory_space<semaphore_mem>>
      %dma_start3A_204 = arith.constant 0 : i32
      %dma_start3A_205 = tpu.memref_slice %arg3[%select_n3A, %mul3A_35, %dma_start3A_204] : memref<16x8x128xi32, #tpu.memory_space<hbm>> -> memref<1x4x128xi32, #tpu.memory_space<hbm>>
      %dma_start3A_206 = tpu.memref_squeeze %dma_start3A_205 : memref<1x4x128xi32, #tpu.memory_space<hbm>> -> memref<4x128xi32, #tpu.memory_space<hbm>>
      %dma_start3A_207 = arith.constant 0 : i32
      %dma_start3A_208 = tpu.memref_slice %arg3[%select_n3A, %mul3A_35, %dma_start3A_207] : memref<16x8x128xi32, #tpu.memory_space<hbm>> -> memref<1x4x128xi32, #tpu.memory_space<hbm>>
      %dma_start3A_209 = tpu.memref_squeeze %dma_start3A_208 : memref<1x4x128xi32, #tpu.memory_space<hbm>> -> memref<4x128xi32, #tpu.memory_space<hbm>>
      tpu.enqueue_dma source(%dma_start3A_209 : memref<4x128xi32, #tpu.memory_space<hbm>>) target(%arg5 : memref<4x128xi32, #tpu.memory_space<vmem>>) target_semaphore(%run_scoped3A : memref<!tpu.dma_semaphore, #tpu.memory_space<semaphore_mem>>)
      %dma_wait3A_210 = arith.constant 0 : i32
      %dma_wait3A_211 = tpu.memref_slice %arg3[%select_n3A, %mul3A_35, %dma_wait3A_210] : memref<16x8x128xi32, #tpu.memory_space<hbm>> -> memref<1x4x128xi32, #tpu.memory_space<hbm>>
      %dma_wait3A_212 = tpu.memref_squeeze %dma_wait3A_211 : memref<1x4x128xi32, #tpu.memory_space<hbm>> -> memref<4x128xi32, #tpu.memory_space<hbm>>
      %dma_wait3A_213 = arith.constant 0 : i32
      %dma_wait3A_214 = tpu.memref_slice %arg3[%select_n3A, %mul3A_35, %dma_wait3A_213] : memref<16x8x128xi32, #tpu.memory_space<hbm>> -> memref<1x4x128xi32, #tpu.memory_space<hbm>>
      %dma_wait3A_215 = tpu.memref_squeeze %dma_wait3A_214 : memref<1x4x128xi32, #tpu.memory_space<hbm>> -> memref<4x128xi32, #tpu.memory_space<hbm>>
      tpu.wait_dma2 semaphore(%run_scoped3A : memref<!tpu.dma_semaphore, #tpu.memory_space<semaphore_mem>>) src(%dma_wait3A_215 : memref<4x128xi32, #tpu.memory_space<hbm>>) dst(%arg5 : memref<4x128xi32, #tpu.memory_space<vmem>>)
      tpu.yield
    }) : () -> ()
    %barrier3A = arith.constant 0 : index
    tpu.barrier barrier_id(%barrier3A)
    %dma_start3A = arith.constant 0 : i32
    %dma_start3A_36 = arith.constant 0 : i32
    %dma_start3A_37 = arith.constant 0 : i32
    %dma_start3A_38 = tpu.memref_slice %arg6[%dma_start3A_36, %dma_start3A_37] : memref<512x64xf32, #tpu.memory_space<vmem>> -> memref<128x64xf32, #tpu.memory_space<vmem>>
    %dma_start3A_39 = arith.constant 0 : i32
    %dma_start3A_40 = tpu.memref_slice %arg5[%dma_start3A, %dma_start3A_39] : memref<4x128xi32, #tpu.memory_space<vmem>> -> memref<1x128xi32, #tpu.memory_space<vmem>>
    %dma_start3A_41 = tpu.memref_squeeze %dma_start3A_40 : memref<1x128xi32, #tpu.memory_space<vmem>> -> memref<128xi32, #tpu.memory_space<vmem>>
    %dma_start3A_42 = arith.constant 0 : i32
    %dma_start3A_43 = arith.constant 0 : i32
    %dma_start3A_44 = tpu.memref_slice %arg7[%dma_start3A_42, %dma_start3A_43] : memref<1024x64xf32, #tpu.memory_space<vmem_shared>> -> memref<1024x64xf32, #tpu.memory_space<vmem_shared>>
    tpu.enqueue_indirect_dma source(%dma_start3A_44 : memref<1024x64xf32, #tpu.memory_space<vmem_shared>>) target(%dma_start3A_38 : memref<128x64xf32, #tpu.memory_space<vmem>>) offsets(%dma_start3A_41 : memref<128xi32, #tpu.memory_space<vmem>>) semaphore(%arg8 : memref<!tpu.dma_semaphore, #tpu.memory_space<semaphore_mem>>)
    %dma_start3A_45 = arith.constant 1 : i32
    %dma_start3A_46 = arith.constant 128 : i32
    %dma_start3A_47 = arith.constant 0 : i32
    %dma_start3A_48 = tpu.memref_slice %arg6[%dma_start3A_46, %dma_start3A_47] : memref<512x64xf32, #tpu.memory_space<vmem>> -> memref<128x64xf32, #tpu.memory_space<vmem>>
    %dma_start3A_49 = arith.constant 0 : i32
    %dma_start3A_50 = tpu.memref_slice %arg5[%dma_start3A_45, %dma_start3A_49] : memref<4x128xi32, #tpu.memory_space<vmem>> -> memref<1x128xi32, #tpu.memory_space<vmem>>
    %dma_start3A_51 = tpu.memref_squeeze %dma_start3A_50 : memref<1x128xi32, #tpu.memory_space<vmem>> -> memref<128xi32, #tpu.memory_space<vmem>>
    %dma_start3A_52 = arith.constant 0 : i32
    %dma_start3A_53 = arith.constant 0 : i32
    %dma_start3A_54 = tpu.memref_slice %arg7[%dma_start3A_52, %dma_start3A_53] : memref<1024x64xf32, #tpu.memory_space<vmem_shared>> -> memref<1024x64xf32, #tpu.memory_space<vmem_shared>>
    tpu.enqueue_indirect_dma source(%dma_start3A_54 : memref<1024x64xf32, #tpu.memory_space<vmem_shared>>) target(%dma_start3A_48 : memref<128x64xf32, #tpu.memory_space<vmem>>) offsets(%dma_start3A_51 : memref<128xi32, #tpu.memory_space<vmem>>) semaphore(%arg8 : memref<!tpu.dma_semaphore, #tpu.memory_space<semaphore_mem>>)
    %dma_start3A_55 = arith.constant 2 : i32
    %dma_start3A_56 = arith.constant 256 : i32
    %dma_start3A_57 = arith.constant 0 : i32
    %dma_start3A_58 = tpu.memref_slice %arg6[%dma_start3A_56, %dma_start3A_57] : memref<512x64xf32, #tpu.memory_space<vmem>> -> memref<128x64xf32, #tpu.memory_space<vmem>>
    %dma_start3A_59 = arith.constant 0 : i32
    %dma_start3A_60 = tpu.memref_slice %arg5[%dma_start3A_55, %dma_start3A_59] : memref<4x128xi32, #tpu.memory_space<vmem>> -> memref<1x128xi32, #tpu.memory_space<vmem>>
    %dma_start3A_61 = tpu.memref_squeeze %dma_start3A_60 : memref<1x128xi32, #tpu.memory_space<vmem>> -> memref<128xi32, #tpu.memory_space<vmem>>
    %dma_start3A_62 = arith.constant 0 : i32
    %dma_start3A_63 = arith.constant 0 : i32
    %dma_start3A_64 = tpu.memref_slice %arg7[%dma_start3A_62, %dma_start3A_63] : memref<1024x64xf32, #tpu.memory_space<vmem_shared>> -> memref<1024x64xf32, #tpu.memory_space<vmem_shared>>
    tpu.enqueue_indirect_dma source(%dma_start3A_64 : memref<1024x64xf32, #tpu.memory_space<vmem_shared>>) target(%dma_start3A_58 : memref<128x64xf32, #tpu.memory_space<vmem>>) offsets(%dma_start3A_61 : memref<128xi32, #tpu.memory_space<vmem>>) semaphore(%arg8 : memref<!tpu.dma_semaphore, #tpu.memory_space<semaphore_mem>>)
    %dma_start3A_65 = arith.constant 3 : i32
    %dma_start3A_66 = arith.constant 384 : i32
    %dma_start3A_67 = arith.constant 0 : i32
    %dma_start3A_68 = tpu.memref_slice %arg6[%dma_start3A_66, %dma_start3A_67] : memref<512x64xf32, #tpu.memory_space<vmem>> -> memref<128x64xf32, #tpu.memory_space<vmem>>
    %dma_start3A_69 = arith.constant 0 : i32
    %dma_start3A_70 = tpu.memref_slice %arg5[%dma_start3A_65, %dma_start3A_69] : memref<4x128xi32, #tpu.memory_space<vmem>> -> memref<1x128xi32, #tpu.memory_space<vmem>>
    %dma_start3A_71 = tpu.memref_squeeze %dma_start3A_70 : memref<1x128xi32, #tpu.memory_space<vmem>> -> memref<128xi32, #tpu.memory_space<vmem>>
    %dma_start3A_72 = arith.constant 0 : i32
    %dma_start3A_73 = arith.constant 0 : i32
    %dma_start3A_74 = tpu.memref_slice %arg7[%dma_start3A_72, %dma_start3A_73] : memref<1024x64xf32, #tpu.memory_space<vmem_shared>> -> memref<1024x64xf32, #tpu.memory_space<vmem_shared>>
    tpu.enqueue_indirect_dma source(%dma_start3A_74 : memref<1024x64xf32, #tpu.memory_space<vmem_shared>>) target(%dma_start3A_68 : memref<128x64xf32, #tpu.memory_space<vmem>>) offsets(%dma_start3A_71 : memref<128xi32, #tpu.memory_space<vmem>>) semaphore(%arg8 : memref<!tpu.dma_semaphore, #tpu.memory_space<semaphore_mem>>)
    %mul3A_75 = arith.constant 512 : i32
    %mul3A_76 = arith.muli %add3A, %mul3A_75 : i32
    %dma_wait3A = arith.constant 0 : i32
    %dma_wait3A_77 = arith.constant 0 : i32
    %dma_wait3A_78 = arith.constant 0 : i32
    %dma_wait3A_79 = tpu.memref_slice %arg6[%dma_wait3A_77, %dma_wait3A_78] : memref<512x64xf32, #tpu.memory_space<vmem>> -> memref<128x64xf32, #tpu.memory_space<vmem>>
    %dma_wait3A_80 = arith.constant 0 : i32
    %dma_wait3A_81 = tpu.memref_slice %arg5[%dma_wait3A, %dma_wait3A_80] : memref<4x128xi32, #tpu.memory_space<vmem>> -> memref<1x128xi32, #tpu.memory_space<vmem>>
    %dma_wait3A_82 = tpu.memref_squeeze %dma_wait3A_81 : memref<1x128xi32, #tpu.memory_space<vmem>> -> memref<128xi32, #tpu.memory_space<vmem>>
    %dma_wait3A_83 = arith.constant 0 : i32
    %dma_wait3A_84 = arith.constant 0 : i32
    %dma_wait3A_85 = tpu.memref_slice %arg7[%dma_wait3A_83, %dma_wait3A_84] : memref<1024x64xf32, #tpu.memory_space<vmem_shared>> -> memref<1024x64xf32, #tpu.memory_space<vmem_shared>>
    tpu.wait_indirect_dma semaphore(%arg8 : memref<!tpu.dma_semaphore, #tpu.memory_space<semaphore_mem>>) src(%dma_wait3A_85 : memref<1024x64xf32, #tpu.memory_space<vmem_shared>>) dst(%dma_wait3A_79 : memref<128x64xf32, #tpu.memory_space<vmem>>)
    %add3A_86 = arith.constant 0 : i32
    %add3A_87 = arith.addi %mul3A_76, %add3A_86 : i32
    %dma_start3A_88 = arith.constant 0 : i32
    %dma_start3A_89 = arith.constant 0 : i32
    %dma_start3A_90 = tpu.memref_slice %arg6[%dma_start3A_88, %dma_start3A_89] : memref<512x64xf32, #tpu.memory_space<vmem>> -> memref<128x64xf32, #tpu.memory_space<vmem>>
    %dma_start3A_91 = arith.constant 0 : i32
    %dma_start3A_92 = tpu.memref_slice %arg4[%add3A_87, %dma_start3A_91] : memref<16384x64xf32, #tpu.memory_space<hbm>> -> memref<128x64xf32, #tpu.memory_space<hbm>>
    %dma_start3A_93 = arith.constant 0 : i32
    %dma_start3A_94 = tpu.memref_slice %arg4[%add3A_87, %dma_start3A_93] : memref<16384x64xf32, #tpu.memory_space<hbm>> -> memref<128x64xf32, #tpu.memory_space<hbm>>
    %dma_start3A_95 = arith.constant 0 : i32
    %dma_start3A_96 = arith.constant 0 : i32
    %dma_start3A_97 = tpu.memref_slice %arg6[%dma_start3A_95, %dma_start3A_96] : memref<512x64xf32, #tpu.memory_space<vmem>> -> memref<128x64xf32, #tpu.memory_space<vmem>>
    tpu.enqueue_dma source(%dma_start3A_97 : memref<128x64xf32, #tpu.memory_space<vmem>>) target(%dma_start3A_94 : memref<128x64xf32, #tpu.memory_space<hbm>>) target_semaphore(%arg9 : memref<!tpu.dma_semaphore, #tpu.memory_space<semaphore_mem>>)
    %dma_wait3A_98 = arith.constant 1 : i32
    %dma_wait3A_99 = arith.constant 128 : i32
    %dma_wait3A_100 = arith.constant 0 : i32
    %dma_wait3A_101 = tpu.memref_slice %arg6[%dma_wait3A_99, %dma_wait3A_100] : memref<512x64xf32, #tpu.memory_space<vmem>> -> memref<128x64xf32, #tpu.memory_space<vmem>>
    %dma_wait3A_102 = arith.constant 0 : i32
    %dma_wait3A_103 = tpu.memref_slice %arg5[%dma_wait3A_98, %dma_wait3A_102] : memref<4x128xi32, #tpu.memory_space<vmem>> -> memref<1x128xi32, #tpu.memory_space<vmem>>
    %dma_wait3A_104 = tpu.memref_squeeze %dma_wait3A_103 : memref<1x128xi32, #tpu.memory_space<vmem>> -> memref<128xi32, #tpu.memory_space<vmem>>
    %dma_wait3A_105 = arith.constant 0 : i32
    %dma_wait3A_106 = arith.constant 0 : i32
    %dma_wait3A_107 = tpu.memref_slice %arg7[%dma_wait3A_105, %dma_wait3A_106] : memref<1024x64xf32, #tpu.memory_space<vmem_shared>> -> memref<1024x64xf32, #tpu.memory_space<vmem_shared>>
    tpu.wait_indirect_dma semaphore(%arg8 : memref<!tpu.dma_semaphore, #tpu.memory_space<semaphore_mem>>) src(%dma_wait3A_107 : memref<1024x64xf32, #tpu.memory_space<vmem_shared>>) dst(%dma_wait3A_101 : memref<128x64xf32, #tpu.memory_space<vmem>>)
    %add3A_108 = arith.constant 128 : i32
    %add3A_109 = arith.addi %mul3A_76, %add3A_108 : i32
    %dma_start3A_110 = arith.constant 128 : i32
    %dma_start3A_111 = arith.constant 0 : i32
    %dma_start3A_112 = tpu.memref_slice %arg6[%dma_start3A_110, %dma_start3A_111] : memref<512x64xf32, #tpu.memory_space<vmem>> -> memref<128x64xf32, #tpu.memory_space<vmem>>
    %dma_start3A_113 = arith.constant 0 : i32
    %dma_start3A_114 = tpu.memref_slice %arg4[%add3A_109, %dma_start3A_113] : memref<16384x64xf32, #tpu.memory_space<hbm>> -> memref<128x64xf32, #tpu.memory_space<hbm>>
    %dma_start3A_115 = arith.constant 0 : i32
    %dma_start3A_116 = tpu.memref_slice %arg4[%add3A_109, %dma_start3A_115] : memref<16384x64xf32, #tpu.memory_space<hbm>> -> memref<128x64xf32, #tpu.memory_space<hbm>>
    %dma_start3A_117 = arith.constant 128 : i32
    %dma_start3A_118 = arith.constant 0 : i32
    %dma_start3A_119 = tpu.memref_slice %arg6[%dma_start3A_117, %dma_start3A_118] : memref<512x64xf32, #tpu.memory_space<vmem>> -> memref<128x64xf32, #tpu.memory_space<vmem>>
    tpu.enqueue_dma source(%dma_start3A_119 : memref<128x64xf32, #tpu.memory_space<vmem>>) target(%dma_start3A_116 : memref<128x64xf32, #tpu.memory_space<hbm>>) target_semaphore(%arg9 : memref<!tpu.dma_semaphore, #tpu.memory_space<semaphore_mem>>)
    %dma_wait3A_120 = arith.constant 2 : i32
    %dma_wait3A_121 = arith.constant 256 : i32
    %dma_wait3A_122 = arith.constant 0 : i32
    %dma_wait3A_123 = tpu.memref_slice %arg6[%dma_wait3A_121, %dma_wait3A_122] : memref<512x64xf32, #tpu.memory_space<vmem>> -> memref<128x64xf32, #tpu.memory_space<vmem>>
    %dma_wait3A_124 = arith.constant 0 : i32
    %dma_wait3A_125 = tpu.memref_slice %arg5[%dma_wait3A_120, %dma_wait3A_124] : memref<4x128xi32, #tpu.memory_space<vmem>> -> memref<1x128xi32, #tpu.memory_space<vmem>>
    %dma_wait3A_126 = tpu.memref_squeeze %dma_wait3A_125 : memref<1x128xi32, #tpu.memory_space<vmem>> -> memref<128xi32, #tpu.memory_space<vmem>>
    %dma_wait3A_127 = arith.constant 0 : i32
    %dma_wait3A_128 = arith.constant 0 : i32
    %dma_wait3A_129 = tpu.memref_slice %arg7[%dma_wait3A_127, %dma_wait3A_128] : memref<1024x64xf32, #tpu.memory_space<vmem_shared>> -> memref<1024x64xf32, #tpu.memory_space<vmem_shared>>
    tpu.wait_indirect_dma semaphore(%arg8 : memref<!tpu.dma_semaphore, #tpu.memory_space<semaphore_mem>>) src(%dma_wait3A_129 : memref<1024x64xf32, #tpu.memory_space<vmem_shared>>) dst(%dma_wait3A_123 : memref<128x64xf32, #tpu.memory_space<vmem>>)
    %add3A_130 = arith.constant 256 : i32
    %add3A_131 = arith.addi %mul3A_76, %add3A_130 : i32
    %dma_start3A_132 = arith.constant 256 : i32
    %dma_start3A_133 = arith.constant 0 : i32
    %dma_start3A_134 = tpu.memref_slice %arg6[%dma_start3A_132, %dma_start3A_133] : memref<512x64xf32, #tpu.memory_space<vmem>> -> memref<128x64xf32, #tpu.memory_space<vmem>>
    %dma_start3A_135 = arith.constant 0 : i32
    %dma_start3A_136 = tpu.memref_slice %arg4[%add3A_131, %dma_start3A_135] : memref<16384x64xf32, #tpu.memory_space<hbm>> -> memref<128x64xf32, #tpu.memory_space<hbm>>
    %dma_start3A_137 = arith.constant 0 : i32
    %dma_start3A_138 = tpu.memref_slice %arg4[%add3A_131, %dma_start3A_137] : memref<16384x64xf32, #tpu.memory_space<hbm>> -> memref<128x64xf32, #tpu.memory_space<hbm>>
    %dma_start3A_139 = arith.constant 256 : i32
    %dma_start3A_140 = arith.constant 0 : i32
    %dma_start3A_141 = tpu.memref_slice %arg6[%dma_start3A_139, %dma_start3A_140] : memref<512x64xf32, #tpu.memory_space<vmem>> -> memref<128x64xf32, #tpu.memory_space<vmem>>
    tpu.enqueue_dma source(%dma_start3A_141 : memref<128x64xf32, #tpu.memory_space<vmem>>) target(%dma_start3A_138 : memref<128x64xf32, #tpu.memory_space<hbm>>) target_semaphore(%arg9 : memref<!tpu.dma_semaphore, #tpu.memory_space<semaphore_mem>>)
    %dma_wait3A_142 = arith.constant 3 : i32
    %dma_wait3A_143 = arith.constant 384 : i32
    %dma_wait3A_144 = arith.constant 0 : i32
    %dma_wait3A_145 = tpu.memref_slice %arg6[%dma_wait3A_143, %dma_wait3A_144] : memref<512x64xf32, #tpu.memory_space<vmem>> -> memref<128x64xf32, #tpu.memory_space<vmem>>
    %dma_wait3A_146 = arith.constant 0 : i32
    %dma_wait3A_147 = tpu.memref_slice %arg5[%dma_wait3A_142, %dma_wait3A_146] : memref<4x128xi32, #tpu.memory_space<vmem>> -> memref<1x128xi32, #tpu.memory_space<vmem>>
    %dma_wait3A_148 = tpu.memref_squeeze %dma_wait3A_147 : memref<1x128xi32, #tpu.memory_space<vmem>> -> memref<128xi32, #tpu.memory_space<vmem>>
    %dma_wait3A_149 = arith.constant 0 : i32
    %dma_wait3A_150 = arith.constant 0 : i32
    %dma_wait3A_151 = tpu.memref_slice %arg7[%dma_wait3A_149, %dma_wait3A_150] : memref<1024x64xf32, #tpu.memory_space<vmem_shared>> -> memref<1024x64xf32, #tpu.memory_space<vmem_shared>>
    tpu.wait_indirect_dma semaphore(%arg8 : memref<!tpu.dma_semaphore, #tpu.memory_space<semaphore_mem>>) src(%dma_wait3A_151 : memref<1024x64xf32, #tpu.memory_space<vmem_shared>>) dst(%dma_wait3A_145 : memref<128x64xf32, #tpu.memory_space<vmem>>)
    %add3A_152 = arith.constant 384 : i32
    %add3A_153 = arith.addi %mul3A_76, %add3A_152 : i32
    %dma_start3A_154 = arith.constant 384 : i32
    %dma_start3A_155 = arith.constant 0 : i32
    %dma_start3A_156 = tpu.memref_slice %arg6[%dma_start3A_154, %dma_start3A_155] : memref<512x64xf32, #tpu.memory_space<vmem>> -> memref<128x64xf32, #tpu.memory_space<vmem>>
    %dma_start3A_157 = arith.constant 0 : i32
    %dma_start3A_158 = tpu.memref_slice %arg4[%add3A_153, %dma_start3A_157] : memref<16384x64xf32, #tpu.memory_space<hbm>> -> memref<128x64xf32, #tpu.memory_space<hbm>>
    %dma_start3A_159 = arith.constant 0 : i32
    %dma_start3A_160 = tpu.memref_slice %arg4[%add3A_153, %dma_start3A_159] : memref<16384x64xf32, #tpu.memory_space<hbm>> -> memref<128x64xf32, #tpu.memory_space<hbm>>
    %dma_start3A_161 = arith.constant 384 : i32
    %dma_start3A_162 = arith.constant 0 : i32
    %dma_start3A_163 = tpu.memref_slice %arg6[%dma_start3A_161, %dma_start3A_162] : memref<512x64xf32, #tpu.memory_space<vmem>> -> memref<128x64xf32, #tpu.memory_space<vmem>>
    tpu.enqueue_dma source(%dma_start3A_163 : memref<128x64xf32, #tpu.memory_space<vmem>>) target(%dma_start3A_160 : memref<128x64xf32, #tpu.memory_space<hbm>>) target_semaphore(%arg9 : memref<!tpu.dma_semaphore, #tpu.memory_space<semaphore_mem>>)
    %dma_wait3A_164 = arith.constant 0 : i32
    %dma_wait3A_165 = arith.constant 0 : i32
    %dma_wait3A_166 = tpu.memref_slice %arg6[%dma_wait3A_164, %dma_wait3A_165] : memref<512x64xf32, #tpu.memory_space<vmem>> -> memref<128x64xf32, #tpu.memory_space<vmem>>
    %dma_wait3A_167 = arith.constant 0 : i32
    %dma_wait3A_168 = tpu.memref_slice %arg4[%add3A_87, %dma_wait3A_167] : memref<16384x64xf32, #tpu.memory_space<hbm>> -> memref<128x64xf32, #tpu.memory_space<hbm>>
    %dma_wait3A_169 = arith.constant 0 : i32
    %dma_wait3A_170 = tpu.memref_slice %arg4[%add3A_87, %dma_wait3A_169] : memref<16384x64xf32, #tpu.memory_space<hbm>> -> memref<128x64xf32, #tpu.memory_space<hbm>>
    %dma_wait3A_171 = arith.constant 0 : i32
    %dma_wait3A_172 = arith.constant 0 : i32
    %dma_wait3A_173 = tpu.memref_slice %arg6[%dma_wait3A_171, %dma_wait3A_172] : memref<512x64xf32, #tpu.memory_space<vmem>> -> memref<128x64xf32, #tpu.memory_space<vmem>>
    tpu.wait_dma2 semaphore(%arg9 : memref<!tpu.dma_semaphore, #tpu.memory_space<semaphore_mem>>) src(%dma_wait3A_173 : memref<128x64xf32, #tpu.memory_space<vmem>>) dst(%dma_wait3A_170 : memref<128x64xf32, #tpu.memory_space<hbm>>)
    %dma_wait3A_174 = arith.constant 128 : i32
    %dma_wait3A_175 = arith.constant 0 : i32
    %dma_wait3A_176 = tpu.memref_slice %arg6[%dma_wait3A_174, %dma_wait3A_175] : memref<512x64xf32, #tpu.memory_space<vmem>> -> memref<128x64xf32, #tpu.memory_space<vmem>>
    %dma_wait3A_177 = arith.constant 0 : i32
    %dma_wait3A_178 = tpu.memref_slice %arg4[%add3A_109, %dma_wait3A_177] : memref<16384x64xf32, #tpu.memory_space<hbm>> -> memref<128x64xf32, #tpu.memory_space<hbm>>
    %dma_wait3A_179 = arith.constant 0 : i32
    %dma_wait3A_180 = tpu.memref_slice %arg4[%add3A_109, %dma_wait3A_179] : memref<16384x64xf32, #tpu.memory_space<hbm>> -> memref<128x64xf32, #tpu.memory_space<hbm>>
    %dma_wait3A_181 = arith.constant 128 : i32
    %dma_wait3A_182 = arith.constant 0 : i32
    %dma_wait3A_183 = tpu.memref_slice %arg6[%dma_wait3A_181, %dma_wait3A_182] : memref<512x64xf32, #tpu.memory_space<vmem>> -> memref<128x64xf32, #tpu.memory_space<vmem>>
    tpu.wait_dma2 semaphore(%arg9 : memref<!tpu.dma_semaphore, #tpu.memory_space<semaphore_mem>>) src(%dma_wait3A_183 : memref<128x64xf32, #tpu.memory_space<vmem>>) dst(%dma_wait3A_180 : memref<128x64xf32, #tpu.memory_space<hbm>>)
    %dma_wait3A_184 = arith.constant 256 : i32
    %dma_wait3A_185 = arith.constant 0 : i32
    %dma_wait3A_186 = tpu.memref_slice %arg6[%dma_wait3A_184, %dma_wait3A_185] : memref<512x64xf32, #tpu.memory_space<vmem>> -> memref<128x64xf32, #tpu.memory_space<vmem>>
    %dma_wait3A_187 = arith.constant 0 : i32
    %dma_wait3A_188 = tpu.memref_slice %arg4[%add3A_131, %dma_wait3A_187] : memref<16384x64xf32, #tpu.memory_space<hbm>> -> memref<128x64xf32, #tpu.memory_space<hbm>>
    %dma_wait3A_189 = arith.constant 0 : i32
    %dma_wait3A_190 = tpu.memref_slice %arg4[%add3A_131, %dma_wait3A_189] : memref<16384x64xf32, #tpu.memory_space<hbm>> -> memref<128x64xf32, #tpu.memory_space<hbm>>
    %dma_wait3A_191 = arith.constant 256 : i32
    %dma_wait3A_192 = arith.constant 0 : i32
    %dma_wait3A_193 = tpu.memref_slice %arg6[%dma_wait3A_191, %dma_wait3A_192] : memref<512x64xf32, #tpu.memory_space<vmem>> -> memref<128x64xf32, #tpu.memory_space<vmem>>
    tpu.wait_dma2 semaphore(%arg9 : memref<!tpu.dma_semaphore, #tpu.memory_space<semaphore_mem>>) src(%dma_wait3A_193 : memref<128x64xf32, #tpu.memory_space<vmem>>) dst(%dma_wait3A_190 : memref<128x64xf32, #tpu.memory_space<hbm>>)
    %dma_wait3A_194 = arith.constant 384 : i32
    %dma_wait3A_195 = arith.constant 0 : i32
    %dma_wait3A_196 = tpu.memref_slice %arg6[%dma_wait3A_194, %dma_wait3A_195] : memref<512x64xf32, #tpu.memory_space<vmem>> -> memref<128x64xf32, #tpu.memory_space<vmem>>
    %dma_wait3A_197 = arith.constant 0 : i32
    %dma_wait3A_198 = tpu.memref_slice %arg4[%add3A_153, %dma_wait3A_197] : memref<16384x64xf32, #tpu.memory_space<hbm>> -> memref<128x64xf32, #tpu.memory_space<hbm>>
    %dma_wait3A_199 = arith.constant 0 : i32
    %dma_wait3A_200 = tpu.memref_slice %arg4[%add3A_153, %dma_wait3A_199] : memref<16384x64xf32, #tpu.memory_space<hbm>> -> memref<128x64xf32, #tpu.memory_space<hbm>>
    %dma_wait3A_201 = arith.constant 384 : i32
    %dma_wait3A_202 = arith.constant 0 : i32
    %dma_wait3A_203 = tpu.memref_slice %arg6[%dma_wait3A_201, %dma_wait3A_202] : memref<512x64xf32, #tpu.memory_space<vmem>> -> memref<128x64xf32, #tpu.memory_space<vmem>>
    tpu.wait_dma2 semaphore(%arg9 : memref<!tpu.dma_semaphore, #tpu.memory_space<semaphore_mem>>) src(%dma_wait3A_203 : memref<128x64xf32, #tpu.memory_space<vmem>>) dst(%dma_wait3A_200 : memref<128x64xf32, #tpu.memory_space<hbm>>)
    return
  }
}

module attributes {stable_mosaic.version = 14 : i64} {
  func.func @_dist_body(%arg0: i32, %arg1: memref<4x64x1024xf32, #tpu.memory_space<vmem>>, %arg2: memref<1024x64xf32, #tpu.memory_space<vmem>>, %arg3: memref<4x8x128xi32, #tpu.memory_space<vmem>>, %arg4: memref<1x1xf32, #tpu.memory_space<vmem>>) attributes {dimension_semantics = [#tpu.dimension_semantics<arbitrary>], iteration_bounds = array<i64: 4>, scalar_prefetch = 0 : i64, scratch_operands = 0 : i64, tpu.core_type = #tpu.core_type<tc>, window_params = [{transform_indices = @transform_0, window_bounds = array<i64: 4, 64, 1024>}, {pipeline_mode = #tpu.pipeline_mode<synchronous>, transform_indices = @transform_1, window_bounds = array<i64: 1024, 64>}, {transform_indices = @transform_2, window_bounds = array<i64: 4, 8, 128>}, {pipeline_mode = #tpu.pipeline_mode<synchronous>, transform_indices = @transform_3, window_bounds = array<i64: 1, 1>}]} {
    %get3A = arith.constant 0 : index
    %get3A_0 = arith.constant 0 : index
    %get3A_1 = vector.load %arg2[%get3A, %get3A_0] : memref<1024x64xf32, #tpu.memory_space<vmem>>, vector<1024x64xf32>
    %mul3A = arith.constant -2.000000e+00 : f32
    %mul3A_2 = vector.broadcast %mul3A : f32 to vector<1024x64xf32>
    %mul3A_3 = arith.mulf %get3A_1, %mul3A_2 : vector<1024x64xf32>
    %mul3A_4 = arith.mulf %get3A_1, %get3A_1 : vector<1024x64xf32>
    %reduce_sum3A = arith.constant dense<0.000000e+00> : vector<1024xf32>
    %reduce_sum3A_5 = vector.multi_reduction <add>, %mul3A_4, %reduce_sum3A [1] : vector<1024x64xf32> to vector<1024xf32>
    %broadcast_in_dim3A = vector.shape_cast %reduce_sum3A_5 : vector<1024xf32> to vector<1024x1xf32>
    %iota3A = tpu.iota {dimensions = array<i32: 0>} : vector<1024x1024xi32>
    %convert_element_type3A = arith.sitofp %iota3A : vector<1024x1024xi32> to vector<1024x1024xf32>
    %mul3A_6 = arith.constant 5.82076609E-11 : f32
    %mul3A_7 = vector.broadcast %mul3A_6 : f32 to vector<1024x1024xf32>
    %mul3A_8 = arith.mulf %convert_element_type3A, %mul3A_7 : vector<1024x1024xf32>
    %broadcast_in_dim3A_9 = arith.constant 0.000000e+00 : f32
    %broadcast_in_dim3A_10 = vector.broadcast %broadcast_in_dim3A_9 : f32 to vector<1x1xf32>
    %get3A_11 = arith.constant 0 : index
    %get3A_12 = arith.constant 0 : index
    %get3A_13 = arith.constant 0 : index
    %get3A_14 = vector.load %arg1[%get3A_11, %get3A_12, %get3A_13] : memref<4x64x1024xf32, #tpu.memory_space<vmem>>, vector<1x64x1024xf32>
    %get3A_15 = vector.shape_cast %get3A_14 : vector<1x64x1024xf32> to vector<64x1024xf32>
    %dot_general3A = arith.constant dense<0.000000e+00> : vector<1024x1024xf32>
    %dot_general3A_16 = tpu.matmul %mul3A_3, %get3A_15, %dot_general3A {dimension_numbers = #tpu.dot_dimension_numbers<[1], [0], [0], [1], [0, 0, 1, 1], [], []>, transpose_lhs_hint = false} : vector<1024x64xf32>, vector<64x1024xf32>, vector<1024x1024xf32> -> vector<1024x1024xf32>
    %mul3A_17 = arith.mulf %get3A_15, %get3A_15 : vector<64x1024xf32>
    %reduce_sum3A_18 = arith.constant dense<0.000000e+00> : vector<1024xf32>
    %reduce_sum3A_19 = vector.multi_reduction <add>, %mul3A_17, %reduce_sum3A_18 [0] : vector<64x1024xf32> to vector<1024xf32>
    %broadcast_in_dim3A_20 = vector.shape_cast %reduce_sum3A_19 : vector<1024xf32> to vector<1x1024xf32>
    %add3A = vector.broadcast %broadcast_in_dim3A_20 : vector<1x1024xf32> to vector<1024x1024xf32>
    %add3A_21 = vector.broadcast %broadcast_in_dim3A : vector<1024x1xf32> to vector<1024x1024xf32>
    %add3A_22 = arith.addf %add3A, %add3A_21 : vector<1024x1024xf32>
    %add3A_23 = arith.addf %add3A_22, %dot_general3A_16 : vector<1024x1024xf32>
    %reduce_min3A = arith.constant dense<0x7F800000> : vector<1024xf32>
    %reduce_min3A_24 = vector.multi_reduction <minimumf>, %add3A_23, %reduce_min3A [0] : vector<1024x1024xf32> to vector<1024xf32>
    %broadcast_in_dim3A_25 = vector.shape_cast %reduce_min3A_24 : vector<1024xf32> to vector<1x1024xf32>
    %sub3A = vector.broadcast %broadcast_in_dim3A_25 : vector<1x1024xf32> to vector<1024x1024xf32>
    %sub3A_26 = arith.subf %add3A_23, %sub3A : vector<1024x1024xf32>
    %add3A_27 = arith.addf %sub3A_26, %mul3A_8 : vector<1024x1024xf32>
    %reduce_min3A_28 = arith.constant dense<0x7F800000> : vector<1024xf32>
    %reduce_min3A_29 = vector.multi_reduction <minimumf>, %add3A_27, %reduce_min3A_28 [0] : vector<1024x1024xf32> to vector<1024xf32>
    %broadcast_in_dim3A_30 = vector.shape_cast %reduce_min3A_29 : vector<1024xf32> to vector<1x1024xf32>
    %mul3A_31 = arith.constant 1.71798692E+10 : f32
    %mul3A_32 = vector.broadcast %mul3A_31 : f32 to vector<1x1024xf32>
    %mul3A_33 = arith.mulf %broadcast_in_dim3A_30, %mul3A_32 : vector<1x1024xf32>
    %convert_element_type3A_34 = arith.fptosi %mul3A_33 : vector<1x1024xf32> to vector<1x1024xi32>
    %reshape3A = vector.shape_cast %convert_element_type3A_34 : vector<1x1024xi32> to vector<8x128xi32>
    %swap3A = arith.constant 0 : index
    %swap3A_35 = arith.constant 0 : index
    %swap3A_36 = arith.constant 0 : index
    %swap3A_37 = vector.load %arg3[%swap3A, %swap3A_35, %swap3A_36] : memref<4x8x128xi32, #tpu.memory_space<vmem>>, vector<1x8x128xi32>
    %swap3A_38 = vector.shape_cast %swap3A_37 : vector<1x8x128xi32> to vector<8x128xi32>
    %swap3A_39 = vector.shape_cast %reshape3A : vector<8x128xi32> to vector<1x8x128xi32>
    tpu.vector_store %arg3[%swap3A, %swap3A_35, %swap3A_36], %swap3A_39 {strides = array<i32>} : memref<4x8x128xi32, #tpu.memory_space<vmem>>, vector<1x8x128xi32>,
    %reduce_sum3A_40 = vector.shape_cast %broadcast_in_dim3A_25 : vector<1x1024xf32> to vector<1x1x1024xf32>
    %reduce_sum3A_41 = arith.constant dense<0.000000e+00> : vector<1xf32>
    %reduce_sum3A_42 = vector.multi_reduction <add>, %reduce_sum3A_40, %reduce_sum3A_41 [1, 2] : vector<1x1x1024xf32> to vector<1xf32>
    %reduce_sum3A_43 = vector.shape_cast %reduce_sum3A_42 : vector<1xf32> to vector<1x1x1xf32>
    %reduce_sum3A_44 = vector.extract %reduce_sum3A_43[0, 0, 0] : f32 from vector<1x1x1xf32>
    %reshape3A_45 = vector.broadcast %reduce_sum3A_44 : f32 to vector<1x1xf32>
    %add3A_46 = arith.addf %broadcast_in_dim3A_10, %reshape3A_45 : vector<1x1xf32>
    %get3A_47 = arith.constant 1 : index
    %get3A_48 = arith.constant 0 : index
    %get3A_49 = arith.constant 0 : index
    %get3A_50 = vector.load %arg1[%get3A_47, %get3A_48, %get3A_49] : memref<4x64x1024xf32, #tpu.memory_space<vmem>>, vector<1x64x1024xf32>
    %get3A_51 = vector.shape_cast %get3A_50 : vector<1x64x1024xf32> to vector<64x1024xf32>
    %dot_general3A_52 = arith.constant dense<0.000000e+00> : vector<1024x1024xf32>
    %dot_general3A_53 = tpu.matmul %mul3A_3, %get3A_51, %dot_general3A_52 {dimension_numbers = #tpu.dot_dimension_numbers<[1], [0], [0], [1], [0, 0, 1, 1], [], []>, transpose_lhs_hint = false} : vector<1024x64xf32>, vector<64x1024xf32>, vector<1024x1024xf32> -> vector<1024x1024xf32>
    %mul3A_54 = arith.mulf %get3A_51, %get3A_51 : vector<64x1024xf32>
    %reduce_sum3A_55 = arith.constant dense<0.000000e+00> : vector<1024xf32>
    %reduce_sum3A_56 = vector.multi_reduction <add>, %mul3A_54, %reduce_sum3A_55 [0] : vector<64x1024xf32> to vector<1024xf32>
    %broadcast_in_dim3A_57 = vector.shape_cast %reduce_sum3A_56 : vector<1024xf32> to vector<1x1024xf32>
    %add3A_58 = vector.broadcast %broadcast_in_dim3A_57 : vector<1x1024xf32> to vector<1024x1024xf32>
    %add3A_59 = vector.broadcast %broadcast_in_dim3A : vector<1024x1xf32> to vector<1024x1024xf32>
    %add3A_60 = arith.addf %add3A_58, %add3A_59 : vector<1024x1024xf32>
    %add3A_61 = arith.addf %add3A_60, %dot_general3A_53 : vector<1024x1024xf32>
    %reduce_min3A_62 = arith.constant dense<0x7F800000> : vector<1024xf32>
    %reduce_min3A_63 = vector.multi_reduction <minimumf>, %add3A_61, %reduce_min3A_62 [0] : vector<1024x1024xf32> to vector<1024xf32>
    %broadcast_in_dim3A_64 = vector.shape_cast %reduce_min3A_63 : vector<1024xf32> to vector<1x1024xf32>
    %sub3A_65 = vector.broadcast %broadcast_in_dim3A_64 : vector<1x1024xf32> to vector<1024x1024xf32>
    %sub3A_66 = arith.subf %add3A_61, %sub3A_65 : vector<1024x1024xf32>
    %add3A_67 = arith.addf %sub3A_66, %mul3A_8 : vector<1024x1024xf32>
    %reduce_min3A_68 = arith.constant dense<0x7F800000> : vector<1024xf32>
    %reduce_min3A_69 = vector.multi_reduction <minimumf>, %add3A_67, %reduce_min3A_68 [0] : vector<1024x1024xf32> to vector<1024xf32>
    %broadcast_in_dim3A_70 = vector.shape_cast %reduce_min3A_69 : vector<1024xf32> to vector<1x1024xf32>
    %mul3A_71 = arith.constant 1.71798692E+10 : f32
    %mul3A_72 = vector.broadcast %mul3A_71 : f32 to vector<1x1024xf32>
    %mul3A_73 = arith.mulf %broadcast_in_dim3A_70, %mul3A_72 : vector<1x1024xf32>
    %convert_element_type3A_74 = arith.fptosi %mul3A_73 : vector<1x1024xf32> to vector<1x1024xi32>
    %reshape3A_75 = vector.shape_cast %convert_element_type3A_74 : vector<1x1024xi32> to vector<8x128xi32>
    %swap3A_76 = arith.constant 1 : index
    %swap3A_77 = arith.constant 0 : index
    %swap3A_78 = arith.constant 0 : index
    %swap3A_79 = vector.load %arg3[%swap3A_76, %swap3A_77, %swap3A_78] : memref<4x8x128xi32, #tpu.memory_space<vmem>>, vector<1x8x128xi32>
    %swap3A_80 = vector.shape_cast %swap3A_79 : vector<1x8x128xi32> to vector<8x128xi32>
    %swap3A_81 = vector.shape_cast %reshape3A_75 : vector<8x128xi32> to vector<1x8x128xi32>
    tpu.vector_store %arg3[%swap3A_76, %swap3A_77, %swap3A_78], %swap3A_81 {strides = array<i32>} : memref<4x8x128xi32, #tpu.memory_space<vmem>>, vector<1x8x128xi32>,
    %reduce_sum3A_82 = vector.shape_cast %broadcast_in_dim3A_64 : vector<1x1024xf32> to vector<1x1x1024xf32>
    %reduce_sum3A_83 = arith.constant dense<0.000000e+00> : vector<1xf32>
    %reduce_sum3A_84 = vector.multi_reduction <add>, %reduce_sum3A_82, %reduce_sum3A_83 [1, 2] : vector<1x1x1024xf32> to vector<1xf32>
    %reduce_sum3A_85 = vector.shape_cast %reduce_sum3A_84 : vector<1xf32> to vector<1x1x1xf32>
    %reduce_sum3A_86 = vector.extract %reduce_sum3A_85[0, 0, 0] : f32 from vector<1x1x1xf32>
    %reshape3A_87 = vector.broadcast %reduce_sum3A_86 : f32 to vector<1x1xf32>
    %add3A_88 = arith.addf %add3A_46, %reshape3A_87 : vector<1x1xf32>
    %get3A_89 = arith.constant 2 : index
    %get3A_90 = arith.constant 0 : index
    %get3A_91 = arith.constant 0 : index
    %get3A_92 = vector.load %arg1[%get3A_89, %get3A_90, %get3A_91] : memref<4x64x1024xf32, #tpu.memory_space<vmem>>, vector<1x64x1024xf32>
    %get3A_93 = vector.shape_cast %get3A_92 : vector<1x64x1024xf32> to vector<64x1024xf32>
    %dot_general3A_94 = arith.constant dense<0.000000e+00> : vector<1024x1024xf32>
    %dot_general3A_95 = tpu.matmul %mul3A_3, %get3A_93, %dot_general3A_94 {dimension_numbers = #tpu.dot_dimension_numbers<[1], [0], [0], [1], [0, 0, 1, 1], [], []>, transpose_lhs_hint = false} : vector<1024x64xf32>, vector<64x1024xf32>, vector<1024x1024xf32> -> vector<1024x1024xf32>
    %mul3A_96 = arith.mulf %get3A_93, %get3A_93 : vector<64x1024xf32>
    %reduce_sum3A_97 = arith.constant dense<0.000000e+00> : vector<1024xf32>
    %reduce_sum3A_98 = vector.multi_reduction <add>, %mul3A_96, %reduce_sum3A_97 [0] : vector<64x1024xf32> to vector<1024xf32>
    %broadcast_in_dim3A_99 = vector.shape_cast %reduce_sum3A_98 : vector<1024xf32> to vector<1x1024xf32>
    %add3A_100 = vector.broadcast %broadcast_in_dim3A_99 : vector<1x1024xf32> to vector<1024x1024xf32>
    %add3A_101 = vector.broadcast %broadcast_in_dim3A : vector<1024x1xf32> to vector<1024x1024xf32>
    %add3A_102 = arith.addf %add3A_100, %add3A_101 : vector<1024x1024xf32>
    %add3A_103 = arith.addf %add3A_102, %dot_general3A_95 : vector<1024x1024xf32>
    %reduce_min3A_104 = arith.constant dense<0x7F800000> : vector<1024xf32>
    %reduce_min3A_105 = vector.multi_reduction <minimumf>, %add3A_103, %reduce_min3A_104 [0] : vector<1024x1024xf32> to vector<1024xf32>
    %broadcast_in_dim3A_106 = vector.shape_cast %reduce_min3A_105 : vector<1024xf32> to vector<1x1024xf32>
    %sub3A_107 = vector.broadcast %broadcast_in_dim3A_106 : vector<1x1024xf32> to vector<1024x1024xf32>
    %sub3A_108 = arith.subf %add3A_103, %sub3A_107 : vector<1024x1024xf32>
    %add3A_109 = arith.addf %sub3A_108, %mul3A_8 : vector<1024x1024xf32>
    %reduce_min3A_110 = arith.constant dense<0x7F800000> : vector<1024xf32>
    %reduce_min3A_111 = vector.multi_reduction <minimumf>, %add3A_109, %reduce_min3A_110 [0] : vector<1024x1024xf32> to vector<1024xf32>
    %broadcast_in_dim3A_112 = vector.shape_cast %reduce_min3A_111 : vector<1024xf32> to vector<1x1024xf32>
    %mul3A_113 = arith.constant 1.71798692E+10 : f32
    %mul3A_114 = vector.broadcast %mul3A_113 : f32 to vector<1x1024xf32>
    %mul3A_115 = arith.mulf %broadcast_in_dim3A_112, %mul3A_114 : vector<1x1024xf32>
    %convert_element_type3A_116 = arith.fptosi %mul3A_115 : vector<1x1024xf32> to vector<1x1024xi32>
    %reshape3A_117 = vector.shape_cast %convert_element_type3A_116 : vector<1x1024xi32> to vector<8x128xi32>
    %swap3A_118 = arith.constant 2 : index
    %swap3A_119 = arith.constant 0 : index
    %swap3A_120 = arith.constant 0 : index
    %swap3A_121 = vector.load %arg3[%swap3A_118, %swap3A_119, %swap3A_120] : memref<4x8x128xi32, #tpu.memory_space<vmem>>, vector<1x8x128xi32>
    %swap3A_122 = vector.shape_cast %swap3A_121 : vector<1x8x128xi32> to vector<8x128xi32>
    %swap3A_123 = vector.shape_cast %reshape3A_117 : vector<8x128xi32> to vector<1x8x128xi32>
    tpu.vector_store %arg3[%swap3A_118, %swap3A_119, %swap3A_120], %swap3A_123 {strides = array<i32>} : memref<4x8x128xi32, #tpu.memory_space<vmem>>, vector<1x8x128xi32>,
    %reduce_sum3A_124 = vector.shape_cast %broadcast_in_dim3A_106 : vector<1x1024xf32> to vector<1x1x1024xf32>
    %reduce_sum3A_125 = arith.constant dense<0.000000e+00> : vector<1xf32>
    %reduce_sum3A_126 = vector.multi_reduction <add>, %reduce_sum3A_124, %reduce_sum3A_125 [1, 2] : vector<1x1x1024xf32> to vector<1xf32>
    %reduce_sum3A_127 = vector.shape_cast %reduce_sum3A_126 : vector<1xf32> to vector<1x1x1xf32>
    %reduce_sum3A_128 = vector.extract %reduce_sum3A_127[0, 0, 0] : f32 from vector<1x1x1xf32>
    %reshape3A_129 = vector.broadcast %reduce_sum3A_128 : f32 to vector<1x1xf32>
    %add3A_130 = arith.addf %add3A_88, %reshape3A_129 : vector<1x1xf32>
    %get3A_131 = arith.constant 3 : index
    %get3A_132 = arith.constant 0 : index
    %get3A_133 = arith.constant 0 : index
    %get3A_134 = vector.load %arg1[%get3A_131, %get3A_132, %get3A_133] : memref<4x64x1024xf32, #tpu.memory_space<vmem>>, vector<1x64x1024xf32>
    %get3A_135 = vector.shape_cast %get3A_134 : vector<1x64x1024xf32> to vector<64x1024xf32>
    %dot_general3A_136 = arith.constant dense<0.000000e+00> : vector<1024x1024xf32>
    %dot_general3A_137 = tpu.matmul %mul3A_3, %get3A_135, %dot_general3A_136 {dimension_numbers = #tpu.dot_dimension_numbers<[1], [0], [0], [1], [0, 0, 1, 1], [], []>, transpose_lhs_hint = false} : vector<1024x64xf32>, vector<64x1024xf32>, vector<1024x1024xf32> -> vector<1024x1024xf32>
    %mul3A_138 = arith.mulf %get3A_135, %get3A_135 : vector<64x1024xf32>
    %reduce_sum3A_139 = arith.constant dense<0.000000e+00> : vector<1024xf32>
    %reduce_sum3A_140 = vector.multi_reduction <add>, %mul3A_138, %reduce_sum3A_139 [0] : vector<64x1024xf32> to vector<1024xf32>
    %broadcast_in_dim3A_141 = vector.shape_cast %reduce_sum3A_140 : vector<1024xf32> to vector<1x1024xf32>
    %add3A_142 = vector.broadcast %broadcast_in_dim3A_141 : vector<1x1024xf32> to vector<1024x1024xf32>
    %add3A_143 = vector.broadcast %broadcast_in_dim3A : vector<1024x1xf32> to vector<1024x1024xf32>
    %add3A_144 = arith.addf %add3A_142, %add3A_143 : vector<1024x1024xf32>
    %add3A_145 = arith.addf %add3A_144, %dot_general3A_137 : vector<1024x1024xf32>
    %reduce_min3A_146 = arith.constant dense<0x7F800000> : vector<1024xf32>
    %reduce_min3A_147 = vector.multi_reduction <minimumf>, %add3A_145, %reduce_min3A_146 [0] : vector<1024x1024xf32> to vector<1024xf32>
    %broadcast_in_dim3A_148 = vector.shape_cast %reduce_min3A_147 : vector<1024xf32> to vector<1x1024xf32>
    %sub3A_149 = vector.broadcast %broadcast_in_dim3A_148 : vector<1x1024xf32> to vector<1024x1024xf32>
    %sub3A_150 = arith.subf %add3A_145, %sub3A_149 : vector<1024x1024xf32>
    %add3A_151 = arith.addf %sub3A_150, %mul3A_8 : vector<1024x1024xf32>
    %reduce_min3A_152 = arith.constant dense<0x7F800000> : vector<1024xf32>
    %reduce_min3A_153 = vector.multi_reduction <minimumf>, %add3A_151, %reduce_min3A_152 [0] : vector<1024x1024xf32> to vector<1024xf32>
    %broadcast_in_dim3A_154 = vector.shape_cast %reduce_min3A_153 : vector<1024xf32> to vector<1x1024xf32>
    %mul3A_155 = arith.constant 1.71798692E+10 : f32
    %mul3A_156 = vector.broadcast %mul3A_155 : f32 to vector<1x1024xf32>
    %mul3A_157 = arith.mulf %broadcast_in_dim3A_154, %mul3A_156 : vector<1x1024xf32>
    %convert_element_type3A_158 = arith.fptosi %mul3A_157 : vector<1x1024xf32> to vector<1x1024xi32>
    %reshape3A_159 = vector.shape_cast %convert_element_type3A_158 : vector<1x1024xi32> to vector<8x128xi32>
    %swap3A_160 = arith.constant 3 : index
    %swap3A_161 = arith.constant 0 : index
    %swap3A_162 = arith.constant 0 : index
    %swap3A_163 = vector.load %arg3[%swap3A_160, %swap3A_161, %swap3A_162] : memref<4x8x128xi32, #tpu.memory_space<vmem>>, vector<1x8x128xi32>
    %swap3A_164 = vector.shape_cast %swap3A_163 : vector<1x8x128xi32> to vector<8x128xi32>
    %swap3A_165 = vector.shape_cast %reshape3A_159 : vector<8x128xi32> to vector<1x8x128xi32>
    tpu.vector_store %arg3[%swap3A_160, %swap3A_161, %swap3A_162], %swap3A_165 {strides = array<i32>} : memref<4x8x128xi32, #tpu.memory_space<vmem>>, vector<1x8x128xi32>,
    %reduce_sum3A_166 = vector.shape_cast %broadcast_in_dim3A_148 : vector<1x1024xf32> to vector<1x1x1024xf32>
    %reduce_sum3A_167 = arith.constant dense<0.000000e+00> : vector<1xf32>
    %reduce_sum3A_168 = vector.multi_reduction <add>, %reduce_sum3A_166, %reduce_sum3A_167 [1, 2] : vector<1x1x1024xf32> to vector<1xf32>
    %reduce_sum3A_169 = vector.shape_cast %reduce_sum3A_168 : vector<1xf32> to vector<1x1x1xf32>
    %reduce_sum3A_170 = vector.extract %reduce_sum3A_169[0, 0, 0] : f32 from vector<1x1x1xf32>
    %reshape3A_171 = vector.broadcast %reduce_sum3A_170 : f32 to vector<1x1xf32>
    %add3A_172 = arith.addf %add3A_130, %reshape3A_171 : vector<1x1xf32>
    %eq3A = arith.constant 0 : i32
    %eq3A_173 = arith.cmpi eq, %arg0, %eq3A : i32
    %broadcast_in_dim3A_174 = arith.constant 0.000000e+00 : f32
    %broadcast_in_dim3A_175 = vector.broadcast %broadcast_in_dim3A_174 : f32 to vector<1x1xf32>
    %get3A_176 = arith.constant 0 : index
    %get3A_177 = arith.constant 0 : index
    %get3A_178 = vector.load %arg4[%get3A_176, %get3A_177] : memref<1x1xf32, #tpu.memory_space<vmem>>, vector<1x1xf32>
    %select_n3A = arith.select %eq3A_173, %broadcast_in_dim3A_175, %get3A_178 : vector<1x1xf32>
    %add3A_179 = arith.addf %select_n3A, %add3A_172 : vector<1x1xf32>
    %eq3A_180 = arith.constant 3 : i32
    %eq3A_181 = arith.cmpi eq, %arg0, %eq3A_180 : i32
    %mul3A_182 = arith.constant 1.1920929E-6 : f32
    %mul3A_183 = vector.broadcast %mul3A_182 : f32 to vector<1x1xf32>
    %mul3A_184 = arith.mulf %add3A_179, %mul3A_183 : vector<1x1xf32>
    %select_n3A_185 = arith.select %eq3A_181, %mul3A_184, %add3A_179 : vector<1x1xf32>
    %swap3A_186 = arith.constant 0 : index
    %swap3A_187 = arith.constant 0 : index
    %swap3A_188 = vector.load %arg4[%swap3A_186, %swap3A_187] : memref<1x1xf32, #tpu.memory_space<vmem>>, vector<1x1xf32>
    tpu.vector_store %arg4[%swap3A_186, %swap3A_187], %select_n3A_185 {strides = array<i32>} : memref<1x1xf32, #tpu.memory_space<vmem>>, vector<1x1xf32>,
    return
  }
  func.func @transform_0(%arg0: i32) -> (i32, i32, i32) {
    %c0_i32 = arith.constant 0 : i32
    %c0_i32_0 = arith.constant 0 : i32
    %c0_i32_1 = arith.constant 0 : i32
    return %arg0, %c0_i32, %c0_i32_0 : i32, i32, i32
  }
  func.func @transform_1(%arg0: i32) -> (i32, i32) {
    %c0_i32 = arith.constant 0 : i32
    %c0_i32_0 = arith.constant 0 : i32
    %c0_i32_1 = arith.constant 0 : i32
    return %c0_i32, %c0_i32_0 : i32, i32
  }
  func.func @transform_2(%arg0: i32) -> (i32, i32, i32) {
    %c0_i32 = arith.constant 0 : i32
    %c0_i32_0 = arith.constant 0 : i32
    %c0_i32_1 = arith.constant 0 : i32
    return %arg0, %c0_i32, %c0_i32_0 : i32, i32, i32
  }
  func.func @transform_3(%arg0: i32) -> (i32, i32) {
    %c0_i32 = arith.constant 0 : i32
    %c0_i32_0 = arith.constant 0 : i32
    %c0_i32_1 = arith.constant 0 : i32
    return %c0_i32, %c0_i32_0 : i32, i32
  }
}

</mosaic_0001>

<sc_bundles>
// kernel: kernel.4.cloned.1.call-start
scs
__scs_entry_jumppad:
0x0: {  	(pc) =	sbr.rel $0x88, $3  }
0x1: {  	(tag) =	ssettag $0x0;
	lr =	simm.s32 $0x1  }
0x2: {  	[smem:$0x3F9F] =	sst lr;
	_ =	strace $0xD0000000  }
0x3: {  	_ = 	snop  }
0x4: {  	_ = 	snop  }
0x5: {  	_ = 	snop  }
0x6: {  	_ = 	snop  }
0x7: {  	_ = 	snop  }
__scs_overlays_trampoline_lowered:
0x8: {  	[smem:$0x3FAE] =	sst s0  }
0x9: {  	[smem:$0x3FAF] =	sst s1  }
0xa: {  	[smem:$0x3FB0] =	sst s2  }
0xb: {  	[smem:$0x3FB1] =	sst s3  }
0xc: {  	[smem:$0x3FB2] =	sst s4  }
0xd: {  	[smem:$0x3FB3] =	sst s5  }
0xe: {  	[smem:$0x3FB4] =	sst s6  }
0xf: {  	[smem:$0x3FB5] =	sst s7  }
0x10: {  	[smem:$0x3FB6] =	sst s8  }
0x11: {  	[smem:$0x3FB7] =	sst s9;
	s0 =	simm.s32 @!p0 $0x0  }
0x12: {  	s1 =	sld [smem:$0x3F9D];
	s0 =	simm.s32 @p0 $0x1  }
0x13: {  	[smem:$0x3FB8] =	sst s0;
	s0 =	simm.s32 @!p1 $0x0  }
0x14: {  	s2 =	sld [smem:$0x3F9C];
	s0 =	simm.s32 @p1 $0x1  }
0x15: {  	[smem:$0x3FB9] =	sst s0;
	s0 =	simm.s32 @!p2 $0x0  }
0x16: {  	s3 =	sld [smem:$0x3FDB];
	s0 =	simm.s32 @p2 $0x1  }
0x17: {  	s4 =	simm.s32 $0x1BF5;
	[smem:$0x3FBB] =	sst s0  }
0x18: {  	s0 =	sld [smem:$0x3F9E];
	_ =	swait.ge [sflag:s4], $0x0  }
0x19: {  	s7 =	sld [smem:$0x3F9F]  }
0x1a: {  	s8 =	sadd.s32 $0xFFFFE003, lr  }
0x1b: {  	s9 =	sadd.s32 $0xFFFFFEF7, lr;
	s5 =	simm.s32 $0xFFFFFFFF;
	p2 =	slt.u32 s8, $0xFFFFF086  }
0x1c: {  	p1 =	slt.u32 s9, $0xF7A;
	s5 =	simm.s32 @!p2 $0x0  }
0x1d: {  	s5 =	simm.s32 @p1 $0x1;
	p0 =	seq.s32 s7, s2  }
0x1e: {  	s7 =	smul.u32 @!p0 $0xF7A, s2;
	p2 =	seq.s32 @!p0 s5, $0x0  }
0x1f: {  	s9 =	smul.u32 $0xF7A, s1;
	s8 =	simm.s32 @!p0 $0x1BF5;
	p2 =	por !p2, p0  }
0x20: {  	[sflag:s8] =	ssyncset.s32 @!p0 $0xFFFFF086;
	s6 =	sadd.s32 @!p0 s3, s7;
	s7 =	simm.s32 @!p0 $0x108  }
0x21: {  	s3 =	sadd.s32 s3, s9;
	s6 =	sadd.s32 @!p0 $0x88, s6;
	s7 =	simm.s32 @p2 $0x1082  }
0x22: {  	[simem:s7], [sflag:s8] =	dma.local @!p0 [hbm:s6], $0xF7A  }
0x23: {  	s9 =	sor.u32 $0xD0000000, s2;
	s6 =	simm.s32 $0x108;
	_ =	swait.ge @!p0 [sflag:s8], $0x0  }
0x24: {  	s3 =	sadd.s32 $0x88, s3;
	s6 =	simm.s32 @!p1 $0x1082;
	[sflag:s4] =	ssyncset.s32 $0xFFFFF086  }
0x25: {  	[simem:s6], [sflag:s4] =	dma.local [hbm:s3], $0xF7A  }
0x26: {  	[smem:$0x3F9F] =	sst s1;
	(tag) =	ssettag s2;
	_ =	strace s9  }
0x27: {  	s1 =	sld [smem:$0x3FAF]  }
0x28: {  	s2 =	sld [smem:$0x3FB0]  }
0x29: {  	s4 =	sld [smem:$0x3FB2]  }
0x2a: {  	p0 =	seq.s32 s5, $0x0;
	s5 =	sld [smem:$0x3FB3]  }
0x2b: {  	s6 =	sld [smem:$0x3FB4]  }
0x2c: {  	s7 =	sld [smem:$0x3FB5]  }
0x2d: {  	s3 =	simm.s32 $0x108;
	s8 =	sld [smem:$0x3FB6]  }
0x2e: {  	s3 =	simm.s32 @!p0 $0x1082;
	s9 =	sld [smem:$0x3FB7]  }
0x2f: {  	lr =	sadd.s32 s0, s3;
	s0 =	sld [smem:$0x3FAE]  }
0x30: {  	s3 =	sld [smem:$0x3FB1]  }
0x31: {  	[smem:$0x3FBA] =	sst s10  }
0x32: {  	s10 =	sld [smem:$0x3FB8];
	_ =	sdelay $0x3  }
0x33: {  	p0 =	seq.s32 s10, $0x1;
	s10 =	sld [smem:$0x3FBA];
	_ =	sdelay $0x3  }
0x34: {  	[smem:$0x3FBA] =	sst s10  }
0x35: {  	s10 =	sld [smem:$0x3FB9];
	_ =	sdelay $0x3  }
0x36: {  	p1 =	seq.s32 s10, $0x1;
	s10 =	sld [smem:$0x3FBA];
	_ =	sdelay $0x3  }
0x37: {  	[smem:$0x3FBA] =	sst s10  }
0x38: {  	s10 =	sld [smem:$0x3FBB]  }
0x39: {  	_ = 	snop;
	(pc) =	sbr.ind lr, $3  }
0x3a: {  	_ = 	snop  }
0x3b: {  	_ = 	snop  }
0x3c: {  	p2 =	seq.s32 s10, $0x1;
	s10 =	sld [smem:$0x3FBA]  }
0x3d: {  	_ =	shalt  }
0x3e: {  	_ =	shalt  }
0x3f: {  	_ =	shalt  }
0x40: {  	_ =	shalt  }
0x41: {  	_ =	shalt  }
0x42: {  	_ =	shalt  }
0x43: {  	_ =	shalt  }
0x44: {  	_ =	shalt  }
0x45: {  	_ =	shalt  }
0x46: {  	_ =	shalt  }
0x47: {  	_ =	shalt  }
0x48: {  	_ =	shalt  }
0x49: {  	_ =	shalt  }
0x4a: {  	_ =	shalt  }
0x4b: {  	_ =	shalt  }
0x4c: {  	_ =	shalt  }
0x4d: {  	_ =	shalt  }
0x4e: {  	_ =	shalt  }
0x4f: {  	_ =	shalt  }
0x50: {  	_ =	shalt  }
0x51: {  	_ =	shalt  }
0x52: {  	_ =	shalt  }
0x53: {  	_ =	shalt  }
0x54: {  	_ =	shalt  }
0x55: {  	_ =	shalt  }
0x56: {  	_ =	shalt  }
0x57: {  	_ =	shalt  }
0x58: {  	_ =	shalt  }
0x59: {  	_ =	shalt  }
0x5a: {  	_ =	shalt  }
0x5b: {  	_ =	shalt  }
0x5c: {  	_ =	shalt  }
0x5d: {  	_ =	shalt  }
0x5e: {  	_ =	shalt  }
0x5f: {  	_ =	shalt  }
0x60: {  	_ =	shalt  }
0x61: {  	_ =	shalt  }
0x62: {  	_ =	shalt  }
0x63: {  	_ =	shalt  }
0x64: {  	_ =	shalt  }
0x65: {  	_ =	shalt  }
0x66: {  	_ =	shalt  }
0x67: {  	_ =	shalt  }
0x68: {  	_ =	shalt  }
0x69: {  	_ =	shalt  }
0x6a: {  	_ =	shalt  }
0x6b: {  	_ =	shalt  }
0x6c: {  	_ =	shalt  }
0x6d: {  	_ =	shalt  }
0x6e: {  	_ =	shalt  }
0x6f: {  	_ =	shalt  }
0x70: {  	_ =	shalt  }
0x71: {  	_ =	shalt  }
0x72: {  	_ =	shalt  }
0x73: {  	_ =	shalt  }
0x74: {  	_ =	shalt  }
0x75: {  	_ =	shalt  }
0x76: {  	_ =	shalt  }
0x77: {  	_ =	shalt  }
0x78: {  	_ =	shalt  }
0x79: {  	_ =	shalt  }
0x7a: {  	_ =	shalt  }
0x7b: {  	_ =	shalt  }
0x7c: {  	_ =	shalt  }
0x7d: {  	_ =	shalt  }
0x7e: {  	_ =	shalt  }
0x7f: {  	_ =	shalt  }
0x80: {  	_ =	shalt  }
0x81: {  	_ =	shalt  }
0x82: {  	_ =	shalt  }
0x83: {  	_ =	shalt  }
0x84: {  	_ =	shalt  }
0x85: {  	_ =	shalt  }
0x86: {  	_ =	shalt  }
0x87: {  	_ =	shalt  }
.Lfunc_end0:
.L_simem_size_0:
called_computation_lowered:
.L_overlay_start_0:
0x88: {  	s2 =	sld [smem:$0x3FD9]  }
0x89: {  	s3 =	sld [smem:$0x3FFE];
	_ =	sdelay $0x1  }
0x8a: {  	s1 =	srdreg.scid  }
0x8b: {  	s0 =	sand.u32 $0x1, s1  }
0x8c: {  	s14 =	sshll.u32 s0, $0xA;
	s2 =	sadd.s32 s3, s2  }
0x8d: {  	s2 =	sadd.s32 s2, s14  }
0x8e: {  	[smem:$0x3FC6] =	sst s2  }
0x8f: {  	_ = 	snop  }
0x90: {  	s2 =	sld [smem:$0x3FD0];
	_ =	sdelay $0x2  }
0x91: {  	s15 =	simm.s32 $0xA;
	s4 =	simm.s32 $0x10  }
0x92: {  	[smem:s4], [sflag:s15] =	dma.local [hbm:s2], $0x1  }
0x93: {  	_ =	swait.eq [sflag:s15], $0x1  }
0x94: {  	[sflag:s15] =	ssyncset.done $0x0  }
0x95: {  	[sflag:s15] =	ssyncadd.s32 $0xFFFFFFFF  }
0x96: {  	s16 =	sld [smem:$0x10];
	(tm) =	ssettm $0x1  }
0x97: {  	s17 =	sld [smem:$0x3FFB];
	_ =	sdelay $0x3  }
0x98: {  	_ =	strace s17  }
0x99: {  	s3 =	sld [smem:$0x3FFC];
	_ =	sdelay $0x3  }
0x9a: {  	_ =	strace s3  }
0x9b: {  	s3 =	sld [smem:$0x3FFD];
	_ =	sdelay $0x3  }
0x9c: {  	_ =	strace s3  }
0x9d: {  	_ =	strace $0x8FFFFFFF  }
0x9e: {  	s18 =	sld [smem:$0x3FDB];
	_ =	sdelay $0x1  }
0x9f: {  	s19 =	simm.s32 $_scs_section_size  }
0xa0: {  	s5 =	simm.s32 $_size__tile_overlayer_lowered;
	s6 =	simm.s32 $_tile_overlayer_lowered  }
0xa1: {  	s22 =	simm.s32 $0x1BFF;
	s21 =	sshll.u32 s6, $0x1;
	s3 =	sadd.s32 s19, s18  }
0xa2: {  	s7 =	simm.s32 $0x0;
	s20 =	sshll.u32 s5, $0x1;
	s5 =	sadd.s32 s21, s3  }
0xa3: {  	[timem:s7], [sflag:s22] =	dma.local [hbm:s5], s20  }
0xa4: {  	_ =	swait.ge [sflag:s22], s20  }
0xa5: {  	s4 =	ssub.s32 $0x0, s20;
	[sflag:s22] =	ssyncset.done $0x0  }
0xa6: {  	[sflag:s22] =	ssyncadd.s32 s4;
	_ =	sdelay $0x1  }
0xa7: {  	s23 =	simm.s32 $0x1B8B  }
0xa8: {  	_ =	swait.ge [sflag:s23], $0x1  }
0xa9: {  	[sflag:s23] =	ssyncset.done $0x0  }
0xaa: {  	s25 =	simm.s32 $0x1B8E;
	s24 =	sld [smem:$0x3FFE];
	[sflag:s23] =	ssyncadd.s32 $0xFFFFFFFF  }
0xab: {  	s26 =	simm.s32 $execute0_lowered;
	[smem:$0x3FD2] =	sst s25  }
0xac: {  	s5 =	sshll.u32 s26, $0x1;
	_ =	strace $0x80000046;
	[dreg:$0x1] =	wrdreg $0xFFFFFFFF  }
0xad: {  	s28 =	simm.s32 $_size_execute0_lowered;
	s3 =	sadd.s32 s3, s5;
	[dreg:$0x0] =	wrdreg $0x0  }
0xae: {  	s5 =	sshll.u32 s28, $0x1;
	[dreg:$0x2] =	wrdreg s3  }
0xaf: {  	[dreg:$0x3] =	wrdreg s5  }
0xb0: {  	[dreg:$0x4] =	wrdreg $0xC0  }
0xb1: {  	_ =	task [dreg:s7], $0x5FFFF  }
0xb2: {  	[dreg:$0x1] =	wrdreg $0xFFFFFFFF  }
0xb3: {  	[dreg:$0x0] =	wrdreg $0x60  }
0xb4: {  	[dreg:$0x2] =	wrdreg s16  }
0xb5: {  	[dreg:$0x3] =	wrdreg s24  }
0xb6: {  	[dreg:$0x4] =	wrdreg $0x82000  }
0xb7: {  	[dreg:$0x5] =	wrdreg $0x9  }
0xb8: {  	_ =	task.clear_ibuf [dreg:s7], $0x6FFFF;
	_ =	strace $0x90000046  }
0xb9: {  	s29 =	simm.s32 $0x9;
	_ =	strace $0x80000048  }
0xba: {  	_ =	swait.ge [sflag:s29], $0x1  }
0xbb: {  	[sflag:s29] =	ssyncadd.s32 $0xFFFFFFFF  }
0xbc: {  	_ =	strace $0x90000048  }
0xbd: {  	_ =	sfence  }
0xbe: {  	s30 =	sld [smem:$0x0];
	_ =	sdelay $0x2  }
0xbf: {  	s31 =	sshll.u32 s1, $0xD;
	s1 =	sshrl.u32 s1, $0x2  }
0xc0: {  	s3 =	sand.u32 $0x4000, s31;
	s1 =	sadd.s32 s1, s30  }
0xc1: {  	s0 =	sor.u32 s3, s0;
	s1 =	sshll.u32 s1, $0x11  }
0xc2: {  	s0 =	sor.u32 s1, s0  }
0xc3: {  	s0 =	sadd.s32 $0x8F2B, s0  }
0xc4: {  	[sflag:s0] =	ssyncadd.remote.s32 $0x1  }
0xc5: {  	_ =	sfence.sel $0xFFFF  }
0xc6: {  	[dreg:$0x0] =	wrdreg $0xFFFFFFFF;
	(pc) =	sbr.abs _section_cstart, $3  }
0xc7: {  	[dreg:$0x1] =	wrdreg $0xFFFFFFFF  }
0xc8: {  	_ =	task.clear_ibuf [dreg:s7], $0x2FFFF;
	_ =	strace $0x9FFFFFFF  }
0xc9: {  	(tm) =	ssettm $0x7FFFFFFF  }
tec
execute0_lowered:
.L_overlay_start_1:
0x0: {  	(tag) =	ssettag $0x1  }
0x1: {  	s4 =	rddreg [dreg:$0x0]  }
0x2: {  	s0 =	srdreg.scid;
	s8 =	rddreg [dreg:$0x1]  }
0x3: {  	s5 =	stileid.u32;
	s2 =	simm.s32 $0x1;
	s3 =	rddreg [dreg:$0x2]  }
0x4: {  	s1 =	simm.s32 $0x0;
	s16 =	simm.s32 $0x3;
	s15 =	simm.s32 $0x80  }
0x5: {  	s13 =	simm.s32 $0x200;
	s12 =	simm.s32 $0x2200;
	s17 =	simm.s32 $0x100  }
0x6: {  	s11 =	simm.s32 $0x4200;
	s6 =	sand.u32 $0x1, s0;
	s29 =	sshll.u32 s5, $0x1  }
0x7: {  	s18 =	simm.s32 $0x180;
	s0 =	rddreg [dreg:$0x3];
	s7 =	sor.u32 s6, s29  }
0x8: {  	p1 =	seq.s32 s6, $0x1;
	s10 =	sshll.u32 s6, $0x9;
	s6 =	ssub.s32 $0x2, s6  }
0x9: {  	[smem:$0x7FF] =	sst s1;
	p0 =	seq.s32 s7, $0x0;
	s31 =	sshrl.u32 s6, $0x1  }
0xa: {  	_ =	strace $0x80000047;
	p0 =	por !p0, !p1;
	s6 =	ssub.s32 s6, s31  }
0xb: {  	s7 =	sshll.u32 s7, $0xC;
	p0 =	por !p0, !p0;
	s6 =	smax.u32 s6, $0x1  }
0xc: {  	s30 =	sadd.s32 s7, s8;
	s2 =	simm.s32 @!p0 $0x0;
	s22 =	sadd.s32 $0xFFFFFFFF, s6  }
0xd: {  	p1 =	por $0x0, $0x0;
	s2 =	ssub.s32 s5, s2;
	p2 =	sne.s32 s22, $0x0  }
.Ltmp0:
0xe: {  	s7 =	sadd.s32 $0x1800, s30;
	s9 =	sshll.u32 s2, $0xA;
	(pc) =	sbr.rel @!p2 .LBB2_3-.Ltmp0, $4  }
0xf: {  	p0 =	sne.s32 s5, $0x0;
	s6 =	simm.s32 $0x2;
	s9 =	sor.u32 s10, s9  }
0x10: {  	s5 =	sadd.s32 $0x1C00, s30;
	s19 =	sshrl.u32 @!p0 s3, $0x3;
	s9 =	sshrl.u32 s9, $0x3  }
0x11: {  	s2 =	simm.s32 $0x1;
	s10 =	simm.s32 $0x6200;
	s9 =	sadd.s32 s9, s8  }
0x12: {  	s8 =	sadd.s32 $0x1400, s30;
	s14 =	sadd.s32 $0x800, s9;
	s9 =	sadd.s32 $0x1000, s30  }
0x13: {  	s20 =	simm.s32 @!p0 $0x1C03;
	s21 =	simm.s32 @!p0 $0x3  }
0x14: {  	[spmem:s19], [sflag:s20] =	dma.local @!p0 [hbm:s4], $0x2000  }
0x15: {  	_ =	swait.ge @!p0 [sflag:s21], $0x2000  }
0x16: {  	[sflag:s21] =	ssyncset.done @!p0 $0x0  }
0x17: {  	[sflag:s21] =	ssyncadd.s32 @!p0 $0xFFFFE000  }
0x18: {  	[tilespmem:s1], [sflag:$0x3] =	stream.linear.gather [hbm4b:s14+s1], $0x200, $0x38;
	[tilespmem:$0x9200] =	vst v63  }
0x19: {  	_ =	swait.ge [sflag:s16], $0x200  }
0x1a: {  	[sflag:s16] =	ssyncset.done $0x0  }
0x1b: {  	[sflag:s16] =	ssyncadd.s32 $0xFFFFFE00  }
0x1c: {  	[bflag:$0x0] =	sbarrier.arrive $0xFFFF  }
0x1d: {  	[tilespmem:s13], [sflag:$0x1] =	stream.indirect.gather [spmem:s3], $0x40, s1, s15, $0xb8;
	[tilespmem:$0x9200] =	vst v63  }
0x1e: {  	_ = 	snop  }
0x1f: {  	[tilespmem:s12], [sflag:$0x1] =	stream.indirect.gather [spmem:s3], $0x40, s15, s15, $0xb8;
	[tilespmem:$0x9200] =	vst v63  }
0x20: {  	_ = 	snop  }
0x21: {  	[tilespmem:s11], [sflag:$0x1] =	stream.indirect.gather [spmem:s3], $0x40, s17, s15, $0xb8;
	[tilespmem:$0x9200] =	vst v63  }
0x22: {  	_ = 	snop  }
0x23: {  	[tilespmem:s10], [sflag:$0x1] =	stream.indirect.gather [spmem:s3], $0x40, s18, s15, $0xb8;
	[tilespmem:$0x9200] =	vst v63  }
0x24: {  	_ =	swait.ge [sflag:s2], $0x2000  }
0x25: {  	[sflag:s2] =	ssyncset.done $0x0  }
0x26: {  	[sflag:s2] =	ssyncadd.s32 $0xFFFFE000  }
0x27: {  	[hbm4b:s9+s1] =	stream.linear.scatter [tilespmem:s13], [sflag:$0x2], $0x2000, $0x38;
	[tilespmem:$0x9200] =	vst v63  }
0x28: {  	_ =	swait.ge [sflag:s2], $0x2000  }
0x29: {  	[sflag:s2] =	ssyncset.done $0x0  }
0x2a: {  	[sflag:s2] =	ssyncadd.s32 $0xFFFFE000  }
0x2b: {  	[hbm4b:s8+s1] =	stream.linear.scatter [tilespmem:s12], [sflag:$0x2], $0x2000, $0x38;
	[tilespmem:$0x9200] =	vst v63  }
0x2c: {  	_ =	swait.ge [sflag:s2], $0x2000  }
0x2d: {  	[sflag:s2] =	ssyncset.done $0x0  }
0x2e: {  	[sflag:s2] =	ssyncadd.s32 $0xFFFFE000  }
0x2f: {  	[hbm4b:s7+s1] =	stream.linear.scatter [tilespmem:s11], [sflag:$0x2], $0x2000, $0x38;
	[tilespmem:$0x9200] =	vst v63  }
0x30: {  	_ =	swait.ge [sflag:s2], $0x2000  }
0x31: {  	[sflag:s2] =	ssyncset.done $0x0  }
0x32: {  	[sflag:s2] =	ssyncadd.s32 $0xFFFFE000  }
0x33: {  	[hbm4b:s5+s1] =	stream.linear.scatter [tilespmem:s10], [sflag:$0x2], $0x2000, $0x38;
	[tilespmem:$0x9200] =	vst v63  }
0x34: {  	_ =	swait.ge [sflag:s6], $0x2000  }
0x35: {  	[sflag:s6] =	ssyncset.done $0x0  }
0x36: {  	[sflag:s6] =	ssyncadd.s32 $0xFFFFE000  }
0x37: {  	_ =	swait.ge [sflag:s6], $0x2000  }
0x38: {  	s22 =	sadd.s32 $0xFFFFFFFF, s22;
	[sflag:s6] =	ssyncset.done $0x0  }
0x39: {  	p2 =	sne.s32 s22, $0x0;
	[sflag:s6] =	ssyncadd.s32 $0xFFFFE000  }
.Ltmp1:
0x3a: {  	_ =	swait.ge [sflag:s6], $0x2000;
	(pc) =	sbr.rel @!p2 .LBB2_3-.Ltmp1, $4  }
0x3b: {  	[sflag:s6] =	ssyncset.done $0x0  }
0x3c: {  	[sflag:s6] =	ssyncadd.s32 $0xFFFFE000  }
0x3d: {  	_ =	swait.ge [sflag:s6], $0x2000  }
0x3e: {  	p1 =	por $0x1, $0x1;
	[sflag:s6] =	ssyncset.done $0x0  }
.LBB2_2:
0x3f: {  	[sflag:s6] =	ssyncadd.s32 $0xFFFFE000  }
0x40: {  	[spmem:s19], [sflag:s20] =	dma.local @!p0 [hbm:s4], $0x2000  }
0x41: {  	s22 =	sadd.s32 $0xFFFFFFFF, s22;
	_ =	swait.ge @!p0 [sflag:s21], $0x2000  }
0x42: {  	p2 =	sne.s32 s22, $0x0;
	[sflag:s21] =	ssyncset.done @!p0 $0x0  }
0x43: {  	[sflag:s21] =	ssyncadd.s32 @!p0 $0xFFFFE000  }
0x44: {  	[tilespmem:s1], [sflag:$0x3] =	stream.linear.gather [hbm4b:s14+s1], $0x200, $0x38;
	[tilespmem:$0x9200] =	vst v63  }
0x45: {  	_ =	swait.ge [sflag:s16], $0x200  }
0x46: {  	[sflag:s16] =	ssyncset.done $0x0  }
0x47: {  	[sflag:s16] =	ssyncadd.s32 $0xFFFFFE00  }
0x48: {  	[bflag:$0x0] =	sbarrier.arrive $0xFFFF  }
0x49: {  	[tilespmem:s13], [sflag:$0x1] =	stream.indirect.gather [spmem:s3], $0x40, s1, s15, $0xb8;
	[tilespmem:$0x9200] =	vst v63  }
0x4a: {  	_ = 	snop  }
0x4b: {  	[tilespmem:s12], [sflag:$0x1] =	stream.indirect.gather [spmem:s3], $0x40, s15, s15, $0xb8;
	[tilespmem:$0x9200] =	vst v63  }
0x4c: {  	_ = 	snop  }
0x4d: {  	[tilespmem:s11], [sflag:$0x1] =	stream.indirect.gather [spmem:s3], $0x40, s17, s15, $0xb8;
	[tilespmem:$0x9200] =	vst v63  }
0x4e: {  	_ = 	snop  }
0x4f: {  	[tilespmem:s10], [sflag:$0x1] =	stream.indirect.gather [spmem:s3], $0x40, s18, s15, $0xb8;
	[tilespmem:$0x9200] =	vst v63  }
0x50: {  	_ =	swait.ge [sflag:s2], $0x2000  }
0x51: {  	[sflag:s2] =	ssyncset.done $0x0  }
0x52: {  	[sflag:s2] =	ssyncadd.s32 $0xFFFFE000  }
0x53: {  	[hbm4b:s9+s1] =	stream.linear.scatter [tilespmem:s13], [sflag:$0x2], $0x2000, $0x38;
	[tilespmem:$0x9200] =	vst v63  }
0x54: {  	_ =	swait.ge [sflag:s2], $0x2000  }
0x55: {  	[sflag:s2] =	ssyncset.done $0x0  }
0x56: {  	[sflag:s2] =	ssyncadd.s32 $0xFFFFE000  }
0x57: {  	[hbm4b:s8+s1] =	stream.linear.scatter [tilespmem:s12], [sflag:$0x2], $0x2000, $0x38;
	[tilespmem:$0x9200] =	vst v63  }
0x58: {  	_ =	swait.ge [sflag:s2], $0x2000  }
0x59: {  	[sflag:s2] =	ssyncset.done $0x0  }
0x5a: {  	[sflag:s2] =	ssyncadd.s32 $0xFFFFE000  }
0x5b: {  	[hbm4b:s7+s1] =	stream.linear.scatter [tilespmem:s11], [sflag:$0x2], $0x2000, $0x38;
	[tilespmem:$0x9200] =	vst v63  }
0x5c: {  	_ =	swait.ge [sflag:s2], $0x2000  }
0x5d: {  	[sflag:s2] =	ssyncset.done $0x0  }
0x5e: {  	[sflag:s2] =	ssyncadd.s32 $0xFFFFE000  }
0x5f: {  	[hbm4b:s5+s1] =	stream.linear.scatter [tilespmem:s10], [sflag:$0x2], $0x2000, $0x38;
	[tilespmem:$0x9200] =	vst v63  }
0x60: {  	_ =	swait.ge [sflag:s6], $0x2000  }
0x61: {  	[sflag:s6] =	ssyncset.done $0x0  }
0x62: {  	[sflag:s6] =	ssyncadd.s32 $0xFFFFE000  }
0x63: {  	_ =	swait.ge [sflag:s6], $0x2000  }
0x64: {  	[sflag:s6] =	ssyncset.done $0x0  }
0x65: {  	[sflag:s6] =	ssyncadd.s32 $0xFFFFE000  }
.Ltmp2:
0x66: {  	_ =	swait.ge [sflag:s6], $0x2000;
	(pc) =	sbr.rel @p2 .LBB2_2-.Ltmp2, $4  }
0x67: {  	[sflag:s6] =	ssyncset.done $0x0  }
0x68: {  	[sflag:s6] =	ssyncadd.s32 $0xFFFFE000  }
0x69: {  	_ =	swait.ge [sflag:s6], $0x2000  }
0x6a: {  	[sflag:s6] =	ssyncset.done $0x0  }
.LBB2_3:
0x6b: {  	s20 =	simm.s32 @!p0 $0x1C03;
	s21 =	simm.s32 @!p0 $0x3;
	[sflag:s6] =	ssyncadd.s32 @p1 $0xFFFFE000  }
0x6c: {  	[spmem:s19], [sflag:s20] =	dma.local @!p0 [hbm:s4], $0x2000  }
0x6d: {  	_ =	swait.ge @!p0 [sflag:s21], $0x2000  }
0x6e: {  	[sflag:s21] =	ssyncset.done @!p0 $0x0  }
0x6f: {  	[sflag:s21] =	ssyncadd.s32 @!p0 $0xFFFFE000  }
0x70: {  	[tilespmem:s1], [sflag:$0x3] =	stream.linear.gather [hbm4b:s14+s1], $0x200, $0x38;
	[tilespmem:$0x9200] =	vst v63  }
0x71: {  	_ =	swait.ge [sflag:s16], $0x200  }
0x72: {  	[sflag:s16] =	ssyncset.done $0x0  }
0x73: {  	[sflag:s16] =	ssyncadd.s32 $0xFFFFFE00  }
0x74: {  	[bflag:$0x0] =	sbarrier.arrive $0xFFFF  }
0x75: {  	[tilespmem:s13], [sflag:$0x1] =	stream.indirect.gather [spmem:s3], $0x40, s1, s15, $0xb8;
	[tilespmem:$0x9200] =	vst v63  }
0x76: {  	_ = 	snop  }
0x77: {  	[tilespmem:s12], [sflag:$0x1] =	stream.indirect.gather [spmem:s3], $0x40, s15, s15, $0xb8;
	[tilespmem:$0x9200] =	vst v63  }
0x78: {  	_ = 	snop  }
0x79: {  	[tilespmem:s11], [sflag:$0x1] =	stream.indirect.gather [spmem:s3], $0x40, s17, s15, $0xb8;
	[tilespmem:$0x9200] =	vst v63  }
0x7a: {  	_ = 	snop  }
0x7b: {  	[tilespmem:s10], [sflag:$0x1] =	stream.indirect.gather [spmem:s3], $0x40, s18, s15, $0xb8;
	[tilespmem:$0x9200] =	vst v63  }
0x7c: {  	_ =	swait.ge [sflag:s2], $0x2000  }
0x7d: {  	[sflag:s2] =	ssyncset.done $0x0  }
0x7e: {  	[sflag:s2] =	ssyncadd.s32 $0xFFFFE000  }
0x7f: {  	[hbm4b:s9+s1] =	stream.linear.scatter [tilespmem:s13], [sflag:$0x2], $0x2000, $0x38;
	[tilespmem:$0x9200] =	vst v63  }
0x80: {  	_ =	swait.ge [sflag:s2], $0x2000  }
0x81: {  	[sflag:s2] =	ssyncset.done $0x0  }
0x82: {  	[sflag:s2] =	ssyncadd.s32 $0xFFFFE000  }
0x83: {  	[hbm4b:s8+s1] =	stream.linear.scatter [tilespmem:s12], [sflag:$0x2], $0x2000, $0x38;
	[tilespmem:$0x9200] =	vst v63  }
0x84: {  	_ =	swait.ge [sflag:s2], $0x2000  }
0x85: {  	[sflag:s2] =	ssyncset.done $0x0  }
0x86: {  	[sflag:s2] =	ssyncadd.s32 $0xFFFFE000  }
0x87: {  	[hbm4b:s7+s1] =	stream.linear.scatter [tilespmem:s11], [sflag:$0x2], $0x2000, $0x38;
	[tilespmem:$0x9200] =	vst v63  }
0x88: {  	_ =	swait.ge [sflag:s2], $0x2000  }
0x89: {  	[sflag:s2] =	ssyncset.done $0x0  }
0x8a: {  	[sflag:s2] =	ssyncadd.s32 $0xFFFFE000  }
0x8b: {  	[hbm4b:s5+s1] =	stream.linear.scatter [tilespmem:s10], [sflag:$0x2], $0x2000, $0x38;
	[tilespmem:$0x9200] =	vst v63  }
0x8c: {  	_ =	swait.ge [sflag:s6], $0x2000  }
0x8d: {  	[sflag:s6] =	ssyncset.done $0x0  }
0x8e: {  	[sflag:s6] =	ssyncadd.s32 $0xFFFFE000  }
0x8f: {  	_ =	swait.ge [sflag:s6], $0x2000  }
0x90: {  	[sflag:s6] =	ssyncset.done $0x0  }
0x91: {  	[sflag:s6] =	ssyncadd.s32 $0xFFFFE000  }
0x92: {  	_ =	swait.ge [sflag:s6], $0x2000  }
0x93: {  	[sflag:s6] =	ssyncset.done $0x0  }
0x94: {  	[sflag:s6] =	ssyncadd.s32 $0xFFFFE000  }
0x95: {  	_ =	swait.ge [sflag:s6], $0x2000  }
0x96: {  	[sflag:s6] =	ssyncset.done $0x0  }
0x97: {  	[sflag:s6] =	ssyncadd.s32 $0xFFFFE000  }
0x98: {  	_ =	sfence.sel $0x180000  }
0x99: {  	[bflag:$0x0] =	sbarrier.arrive $0xFFFF  }
0x9a: {  	_ =	strace $0x90000047  }
0x9b: {  	s0 =	sadd.s32 @!p0 $0x100000, s0;
	[bflag:$0x2] =	sbarrier.arrive $0xFFFF  }
0x9c: {  	[sflag:s0] =	ssyncadd.tile.s32 @!p0 $0x1;
	_ =	shalt  }
.Lfunc_end2:
_tile_overlayer_lowered:
.L_overlay_start_2:
0x9d: {  	(tag) =	ssettag $0x2  }
0x9e: {  	s0 =	rddreg [dreg:$0x0];
	s2 =	stileid.u32  }
0x9f: {  	s1 =	rddreg [dreg:$0x1];
	p0 =	sne.s32 s2, $0x0  }
0xa0: {  	s3 =	rddreg [dreg:$0x2];
	[bflag:$0x3] =	sbarrier.arrive $0xFFFF;
	s2 =	simm.s32 @!p0 $0x1C03  }
0xa1: {  	[timem:s3], [sflag:s2] =	dma.local @!p0 [hbm:s0], s1  }
0xa2: {  	s0 =	simm.s32 @!p0 $0x3  }
0xa3: {  	_ =	swait.ge @!p0 [sflag:s0], s1  }
0xa4: {  	s1 =	ssub.s32 @!p0 $0x0, s1;
	[sflag:s0] =	ssyncset.done @!p0 $0x0  }
0xa5: {  	[sflag:s0] =	ssyncadd.s32 @!p0 s1  }
0xa6: {  	[bflag:$0x3] =	sbarrier.arrive $0xFFFF  }
0xa7: {  	_ =	shalt  }

</sc_bundles>
